<compile_context>
chip_gen: v7x
topology: tpu7x:2x2x1
jax: 0.10.2.dev20260603
libtpu: 0.0.44.dev20260713+nightly
codegen_flags: <defaults>
</compile_context>

<pallas_src>
import functools

import jax
import jax.numpy as jnp
from jax import lax
from jax.experimental import pallas as pl
from jax.experimental.pallas import tpu as pltpu
from jax.experimental.pallas import tpu_sc as plsc

N = 10000
E = 640000
H = 128
NODE_VOCAB = 128
EDGE_VOCAB = 16
NUM_GRAPHS = 256
NCOMBO = NODE_VOCAB * EDGE_VOCAB

NPAD = 10112
BLK = 1264
XP = N // 4
NBLK = NPAD // BLK

NC = 2
NS = 16
NW = NC * NS
CH = 112
NCHUNK = -(-E // (NW * CH))
TOTC = NW * NCHUNK
EPAD = TOTC * CH
RING_D = 3
SRC_D = 2
COMBO_D = 3
DST_D = 4
SAFE_ROW = NPAD - 1
ZROWS = NPAD // NS



def _table_body(ne, ee, w1, b1, w2, b2, out):
    pre_n = jnp.dot(ne[...], w1[:H, :], preferred_element_type=jnp.float32)
    pre_e = jnp.dot(ee[...], w1[H:, :], preferred_element_type=jnp.float32) + b1[...]
    row = lax.broadcasted_iota(jnp.int32, (NCOMBO, 1), 0)
    oa = (row // EDGE_VOCAB == lax.broadcasted_iota(jnp.int32, (NCOMBO, NODE_VOCAB), 1)).astype(jnp.float32)
    ob = (row % EDGE_VOCAB == lax.broadcasted_iota(jnp.int32, (NCOMBO, EDGE_VOCAB), 1)).astype(jnp.float32)
    z = jnp.dot(oa, pre_n, preferred_element_type=jnp.float32)
    z = z + jnp.dot(ob, pre_e, preferred_element_type=jnp.float32)
    out[...] = jnp.dot(jnp.maximum(z, 0.0), w2[...], preferred_element_type=jnp.float32) + b2[...]


def _make_table(interpret=False):
    return pl.pallas_call(
        _table_body,
        out_shape=jax.ShapeDtypeStruct((NCOMBO, H), jnp.float32),
        interpret=interpret,
    )



def _edge_body(src_hbm, dst_hbm, attr_hbm, x_hbm, mtab_hbm, zeros_hbm, out_hbm,
               x_v, src_v, dst_v, combo_v, ring_v, aggr_sh, lsem, gsem, ssem):
    c = lax.axis_index("c")
    s = lax.axis_index("s")
    w = c * NS + s
    nch = NCHUNK

    pltpu.sync_copy(zeros_hbm, aggr_sh.at[pl.ds(s * ZROWS, ZROWS)])
    pltpu.sync_copy(x_hbm, x_v)
    plsc.subcore_barrier()

    def start_linear(j):
        pltpu.async_copy(src_hbm.at[w, j], src_v.at[lax.rem(j, SRC_D)], lsem)
        pltpu.async_copy(dst_hbm.at[w, j], dst_v.at[lax.rem(j, DST_D)], lsem)
        pltpu.async_copy(attr_hbm.at[w, j],
                         combo_v.at[lax.rem(j, COMBO_D)], lsem)

    def wait_linear(j):
        pltpu.make_async_copy(src_hbm.at[w, j],
                              src_v.at[lax.rem(j, SRC_D)], lsem).wait()
        pltpu.make_async_copy(dst_hbm.at[w, j],
                              dst_v.at[lax.rem(j, DST_D)], lsem).wait()
        pltpu.make_async_copy(attr_hbm.at[w, j],
                              combo_v.at[lax.rem(j, COMBO_D)], lsem).wait()

    def compute_combo(j):
        js = lax.rem(j, SRC_D)
        jc = lax.rem(j, COMBO_D)

        def c16(k, carry2):
            sl = pl.ds(k * 16, 16)
            srcv = src_v[js, sl]
            word = plsc.load_gather(x_v, [srcv >> 2])
            xg = (word >> ((srcv & 3) << 3)) & 0xFF
            combo_v[jc, sl] = xg * EDGE_VOCAB + combo_v[jc, sl]
            return carry2
        lax.fori_loop(0, CH // 16, c16, 0, unroll=True)

    def start_gather(j):
        pltpu.async_copy(mtab_hbm.at[combo_v.at[lax.rem(j, COMBO_D)]],
                         ring_v.at[lax.rem(j, RING_D)], gsem)

    def wait_gather(j):
        pltpu.make_async_copy(mtab_hbm.at[combo_v.at[lax.rem(j, COMBO_D)]],
                              ring_v.at[lax.rem(j, RING_D)], gsem).wait()

    def start_scatter(j):
        pltpu.async_copy(ring_v.at[lax.rem(j, RING_D)],
                         aggr_sh.at[dst_v.at[lax.rem(j, DST_D)]], ssem,
                         add=True)

    def wait_scatter(j):
        pltpu.make_async_copy(ring_v.at[lax.rem(j, RING_D)],
                              aggr_sh.at[dst_v.at[lax.rem(j, DST_D)]],
                              ssem).wait()

    start_linear(0)
    start_linear(1)
    wait_linear(0)
    compute_combo(0)
    start_gather(0)

    def chunk(j, carry):
        @pl.when(j >= 1)
        def _():
            wait_gather(j - 1)
            start_scatter(j - 1)

        @pl.when(j >= 2)
        def _():
            wait_scatter(j - 2)

        @pl.when(j + 1 < nch)
        def _():
            wait_linear(j + 1)

        @pl.when(j + 2 < nch)
        def _():
            start_linear(j + 2)

        @pl.when(j + 1 < nch)
        def _():
            compute_combo(j + 1)
            start_gather(j + 1)

        return carry

    lax.fori_loop(0, nch, chunk, 0)
    wait_gather(nch - 1)
    start_scatter(nch - 1)
    wait_scatter(nch - 2)
    wait_scatter(nch - 1)

    plsc.subcore_barrier()
    pltpu.sync_copy(aggr_sh.at[pl.ds(s * ZROWS, ZROWS)],
                    out_hbm.at[c, pl.ds(s * ZROWS, ZROWS)])


@functools.cache
def _make_edge_kernel():
    return functools.partial(
        pl.kernel,
        out_type=jax.ShapeDtypeStruct((NC, NPAD, H), jnp.float32),
        mesh=plsc.VectorSubcoreMesh(core_axis_name="c", subcore_axis_name="s"),
        compiler_params=pltpu.CompilerParams(needs_layout_passes=False),
        scratch_types=[
            pltpu.VMEM((XP,), jnp.int32),
            pltpu.VMEM((SRC_D, CH), jnp.int32),
            pltpu.VMEM((DST_D, CH), jnp.int32),
            pltpu.VMEM((COMBO_D, CH), jnp.int32),
            pltpu.VMEM((RING_D, CH, H), jnp.float32),
            pltpu.VMEM_SHARED((NPAD, H), jnp.float32),
            pltpu.SemaphoreType.DMA,
            pltpu.SemaphoreType.DMA,
            pltpu.SemaphoreType.DMA,
        ],
    )(_edge_body)



def _final_body(p_ref, x_ref, b_ref, ne, wih, whh, bih, bhh,
                riW1, rib1, riW2, rib2, rjW1, rjb1, rjW2, rjb2, out):
    i = pl.program_id(0)
    aggr = p_ref[0] + p_ref[1]
    xv = x_ref[...]
    onehot = (xv == lax.broadcasted_iota(jnp.int32, (BLK, NODE_VOCAB), 1)).astype(jnp.float32)
    h0 = jnp.dot(onehot, ne[...], preferred_element_type=jnp.float32)
    gi = lax.dot_general(aggr, wih[...], (((1,), (1,)), ((), ())),
                         preferred_element_type=jnp.float32) + bih[...]
    gh = lax.dot_general(h0, whh[...], (((1,), (1,)), ((), ())),
                         preferred_element_type=jnp.float32) + bhh[...]
    r = jax.nn.sigmoid(gi[:, :H] + gh[:, :H])
    z = jax.nn.sigmoid(gi[:, H:2 * H] + gh[:, H:2 * H])
    n = jnp.tanh(gi[:, 2 * H:] + r * gh[:, 2 * H:])
    h = (1.0 - z) * n + z * h0

    hi = jnp.maximum(jnp.dot(h, riW1[...], preferred_element_type=jnp.float32) + rib1[...], 0.0)
    i_score = jnp.dot(hi, riW2[...], preferred_element_type=jnp.float32) + rib2[...]
    hj = jnp.maximum(jnp.dot(h0, rjW1[...], preferred_element_type=jnp.float32) + rjb1[...], 0.0)
    j_score = jnp.dot(hj, rjW2[...], preferred_element_type=jnp.float32) + rjb2[...]

    bv = b_ref[...]
    probs = jax.nn.sigmoid(i_score + j_score)
    probs = jnp.where(bv >= 0, probs, 0.0)
    og = (bv == lax.broadcasted_iota(jnp.int32, (BLK, NUM_GRAPHS), 1)).astype(jnp.float32)
    contrib = lax.dot_general(probs, og, (((0,), (0,)), ((), ())),
                              preferred_element_type=jnp.float32)

    @pl.when(i == 0)
    def _():
        out[...] = jnp.zeros_like(out)

    out[...] += contrib.reshape(NUM_GRAPHS)


def _make_final(interpret=False):
    full = lambda shape: pl.BlockSpec(shape, lambda i: tuple(0 for _ in shape))
    return pl.pallas_call(
        _final_body,
        grid=(NBLK,),
        in_specs=[
            pl.BlockSpec((NC, BLK, H), lambda i: (0, i, 0)),
            pl.BlockSpec((BLK, 1), lambda i: (i, 0)),
            pl.BlockSpec((BLK, 1), lambda i: (i, 0)),
            full((NODE_VOCAB, H)),
            full((3 * H, H)),
            full((3 * H, H)),
            full((3 * H,)),
            full((3 * H,)),
            full((H, H)),
            full((H,)),
            full((H, 1)),
            full((1,)),
            full((H, H)),
            full((H,)),
            full((H, 1)),
            full((1,)),
        ],
        out_specs=pl.BlockSpec((NUM_GRAPHS,), lambda i: (0,)),
        out_shape=jax.ShapeDtypeStruct((NUM_GRAPHS,), jnp.float32),
        interpret=interpret,
    )



def kernel(x, edge_index, edge_attr, batch, node_emb, edge_emb, msg_W1, msg_b1,
           msg_W2, msg_b2, gru_Wih, gru_Whh, gru_bih, gru_bhh, ri_W1, ri_b1,
           ri_W2, ri_b2, rj_W1, rj_b1, rj_W2, rj_b2):
    xf = x.reshape(-1).astype(jnp.int32)
    pad = (0, EPAD - E)
    src = jnp.pad(edge_index[0].astype(jnp.int32), pad).reshape(NW, NCHUNK, CH)
    dst = jnp.pad(edge_index[1].astype(jnp.int32), pad,
                  constant_values=SAFE_ROW).reshape(NW, NCHUNK, CH)
    attr = jnp.pad(edge_attr.reshape(-1).astype(jnp.int32),
                   pad).reshape(NW, NCHUNK, CH)

    xr = xf.reshape(XP, 4)
    xp = xr[:, 0] | (xr[:, 1] << 8) | (xr[:, 2] << 16) | (xr[:, 3] << 24)

    mtab = _make_table()(node_emb, edge_emb, msg_W1, msg_b1, msg_W2, msg_b2)
    zeros = jnp.zeros((ZROWS, H), jnp.float32)
    partials = _make_edge_kernel()(src, dst, attr, xp, mtab, zeros)

    x_pad = jnp.pad(xf, (0, NPAD - N)).reshape(NPAD, 1)
    b_pad = jnp.pad(batch.astype(jnp.int32), (0, NPAD - N),
                    constant_values=-1).reshape(NPAD, 1)
    return _make_final()(partials, x_pad, b_pad, node_emb, gru_Wih, gru_Whh,
                         gru_bih, gru_bhh, ri_W1, ri_b1, ri_W2, ri_b2,
                         rj_W1, rj_b1, rj_W2, rj_b2)

# --- scband reference (transcript-rebuilt; emitter-appended) ---
"""Pipeline reference for scband-mpnnclassifier-77790447665502 (READ-ONLY COPY).

The authoritative reference and input builder live on the scoring server;
editing this copy changes nothing except your own understanding.
"""

import jax, jax.numpy as jnp
import numpy as np

N = 10000
E = 640000
H = 128
NODE_VOCAB = 128
EDGE_VOCAB = 16
READ_H = 128
NUM_PASSES = 3
NUM_GRAPHS = 256


def setup_inputs(seed: int = 0) -> dict:
    key = jax.random.key(seed)
    ks = jax.random.split(key, 24)
    s = 0.05
    inp = {}
    inp["x"] = jax.random.randint(ks[0], (N, 1), 0, NODE_VOCAB)
    inp["edge_index"] = jax.random.randint(ks[1], (2, E), 0, N)
    inp["edge_attr"] = jax.random.randint(ks[2], (E, 1), 0, EDGE_VOCAB)
    inp["batch"] = jnp.sort(jax.random.randint(ks[3], (N,), 0, NUM_GRAPHS))
    inp["node_emb"] = jax.random.normal(ks[4], (NODE_VOCAB, H)) * s
    inp["edge_emb"] = jax.random.normal(ks[5], (EDGE_VOCAB, H)) * s
    inp["msg_W1"] = jax.random.normal(ks[6], (2 * H, H)) * s
    inp["msg_b1"] = jnp.zeros((H,))
    inp["msg_W2"] = jax.random.normal(ks[7], (H, H)) * s
    inp["msg_b2"] = jnp.zeros((H,))
    inp["gru_Wih"] = jax.random.normal(ks[8], (3 * H, H)) * s
    inp["gru_Whh"] = jax.random.normal(ks[9], (3 * H, H)) * s
    inp["gru_bih"] = jnp.zeros((3 * H,))
    inp["gru_bhh"] = jnp.zeros((3 * H,))
    inp["ri_W1"] = jax.random.normal(ks[10], (H, READ_H)) * s
    inp["ri_b1"] = jnp.zeros((READ_H,))
    inp["ri_W2"] = jax.random.normal(ks[11], (READ_H, 1)) * s
    inp["ri_b2"] = jnp.zeros((1,))
    inp["rj_W1"] = jax.random.normal(ks[12], (H, READ_H)) * s
    inp["rj_b1"] = jnp.zeros((READ_H,))
    inp["rj_W2"] = jax.random.normal(ks[13], (READ_H, 1)) * s
    inp["rj_b2"] = jnp.zeros((1,))
    return inp


def reference(x, edge_index, edge_attr, batch, node_emb, edge_emb, msg_W1, msg_b1, msg_W2, msg_b2, gru_Wih, gru_Whh, gru_bih, gru_bhh, ri_W1, ri_b1, ri_W2, ri_b2, rj_W1, rj_b1, rj_W2, rj_b2):
    src = edge_index[0]
    dst = edge_index[1]
    # node embedding lookup; input_proj is Identity since embed_dim == hidden_dim
    h0 = node_emb[x.reshape(-1)]
    e = edge_emb[edge_attr.reshape(-1)]

    def layer(h_in):
        # message: A([h_src, e_edge]) via 2-layer MLP
        cat = jnp.concatenate([h_in[src], e], axis=1)
        m = jnp.maximum(cat @ msg_W1 + msg_b1, 0.0) @ msg_W2 + msg_b2
        # aggregate: scatter-add by destination node
        aggr = jax.ops.segment_sum(m, dst, num_segments=N)
        # update: PyTorch GRUCell(input=aggr, hidden=h_in)
        gi = aggr @ gru_Wih.T + gru_bih
        gh = h_in @ gru_Whh.T + gru_bhh
        i_r, i_z, i_n = jnp.split(gi, 3, axis=1)
        h_r, h_z, h_n = jnp.split(gh, 3, axis=1)
        r = jax.nn.sigmoid(i_r + h_r)
        z = jax.nn.sigmoid(i_z + h_z)
        n = jnp.tanh(i_n + r * h_n)
        return (1.0 - z) * n + z * h_in

    # faithful to the original: each pass re-embeds x, so the layer always runs on h0
    h = h0
    for _ in range(NUM_PASSES):
        h = layer(h0)
    # dropout is identity in eval mode
    i_score = (jnp.maximum(h @ ri_W1 + ri_b1, 0.0) @ ri_W2 + ri_b2).reshape(-1)
    j_score = (jnp.maximum(h0 @ rj_W1 + rj_b1, 0.0) @ rj_W2 + rj_b2).reshape(-1)
    node_probs = jax.nn.sigmoid(i_score + j_score)
    graph_scores = jax.ops.segment_sum(node_probs[:, None], batch, num_segments=NUM_GRAPHS).reshape(-1)
    return graph_scores

if __name__ == "__main__":
    import jax
    _d = setup_inputs()
    print(jax.jit(kernel)(*tuple(_d.values())))

</pallas_src>

<mosaic_0001>
#map = affine_map<(d0, d1) -> (0, 0, 0)>
#map1 = affine_map<(d0, d1) -> (0)>
#map2 = affine_map<(d0, d1) -> (0, 0)>
module attributes {stable_mosaic.version = 14 : i64} {
  func.func @_edge_body(%arg0: i32, %arg1: i32, %arg2: memref<32x179x112xi32, #tpu.memory_space<hbm>>, %arg3: memref<32x179x112xi32, #tpu.memory_space<hbm>>, %arg4: memref<32x179x112xi32, #tpu.memory_space<hbm>>, %arg5: memref<2500xi32, #tpu.memory_space<hbm>>, %arg6: memref<2048x128xf32, #tpu.memory_space<hbm>>, %arg7: memref<632x128xf32, #tpu.memory_space<hbm>>, %arg8: memref<2x10112x128xf32, #tpu.memory_space<hbm>>, %arg9: memref<2500xi32, #tpu.memory_space<vmem>>, %arg10: memref<2x112xi32, #tpu.memory_space<vmem>>, %arg11: memref<4x112xi32, #tpu.memory_space<vmem>>, %arg12: memref<3x112xi32, #tpu.memory_space<vmem>>, %arg13: memref<3x112x128xf32, #tpu.memory_space<vmem>>, %arg14: memref<10112x128xf32, #tpu.memory_space<vmem_shared>>, %arg15: memref<!tpu.dma_semaphore, #tpu.memory_space<semaphore_mem>>, %arg16: memref<!tpu.dma_semaphore, #tpu.memory_space<semaphore_mem>>, %arg17: memref<!tpu.dma_semaphore, #tpu.memory_space<semaphore_mem>>) attributes {dimension_semantics = [#tpu.dimension_semantics<core_parallel>, #tpu.dimension_semantics<subcore_parallel>], iteration_bounds = array<i64: 2, 16>, scalar_prefetch = 0 : i64, scratch_operands = 9 : i64, tpu.core_type = #tpu.core_type<sc_vector_subcore>, window_params = [{transform_indices = #map}, {transform_indices = #map}, {transform_indices = #map}, {transform_indices = #map1}, {transform_indices = #map2}, {transform_indices = #map2}, {transform_indices = #map}]} {
    %mul3A = arith.constant 16 : i32
    %mul3A_0 = arith.muli %arg0, %mul3A : i32
    %add3A = arith.addi %mul3A_0, %arg1 : i32
    %mul3A_1 = arith.constant 632 : i32
    %mul3A_2 = arith.muli %arg1, %mul3A_1 : i32
    "tpu.region"() ({
      %run_scoped3A = tpu.sem_alloc : memref<!tpu.dma_semaphore, #tpu.memory_space<semaphore_mem>>
      %dma_start3A_446 = arith.constant 0 : i32
      %dma_start3A_447 = tpu.memref_slice %arg14[%mul3A_2, %dma_start3A_446] : memref<10112x128xf32, #tpu.memory_space<vmem_shared>> -> memref<632x128xf32, #tpu.memory_space<vmem_shared>>
      tpu.enqueue_dma source(%arg7 : memref<632x128xf32, #tpu.memory_space<hbm>>) target(%dma_start3A_447 : memref<632x128xf32, #tpu.memory_space<vmem_shared>>) target_semaphore(%run_scoped3A : memref<!tpu.dma_semaphore, #tpu.memory_space<semaphore_mem>>)
      %dma_wait3A_448 = arith.constant 0 : i32
      %dma_wait3A_449 = tpu.memref_slice %arg14[%mul3A_2, %dma_wait3A_448] : memref<10112x128xf32, #tpu.memory_space<vmem_shared>> -> memref<632x128xf32, #tpu.memory_space<vmem_shared>>
      tpu.wait_dma2 semaphore(%run_scoped3A : memref<!tpu.dma_semaphore, #tpu.memory_space<semaphore_mem>>) src(%arg7 : memref<632x128xf32, #tpu.memory_space<hbm>>) dst(%dma_wait3A_449 : memref<632x128xf32, #tpu.memory_space<vmem_shared>>)
      tpu.yield
    }) : () -> ()
    "tpu.region"() ({
      %run_scoped3A = tpu.sem_alloc : memref<!tpu.dma_semaphore, #tpu.memory_space<semaphore_mem>>
      tpu.enqueue_dma source(%arg5 : memref<2500xi32, #tpu.memory_space<hbm>>) target(%arg9 : memref<2500xi32, #tpu.memory_space<vmem>>) target_semaphore(%run_scoped3A : memref<!tpu.dma_semaphore, #tpu.memory_space<semaphore_mem>>)
      tpu.wait_dma2 semaphore(%run_scoped3A : memref<!tpu.dma_semaphore, #tpu.memory_space<semaphore_mem>>) src(%arg5 : memref<2500xi32, #tpu.memory_space<hbm>>) dst(%arg9 : memref<2500xi32, #tpu.memory_space<vmem>>)
      tpu.yield
    }) : () -> ()
    %barrier3A = arith.constant 0 : index
    tpu.barrier barrier_id(%barrier3A)
    %rem3A = arith.constant 0 : i32
    %rem3A_3 = arith.constant 2 : i32
    %rem3A_4 = arith.remsi %rem3A, %rem3A_3 : i32
    %dma_start3A = arith.constant 0 : i32
    %dma_start3A_5 = arith.constant 0 : i32
    %dma_start3A_6 = tpu.memref_slice %arg10[%rem3A_4, %dma_start3A_5] : memref<2x112xi32, #tpu.memory_space<vmem>> -> memref<1x112xi32, #tpu.memory_space<vmem>>
    %dma_start3A_7 = tpu.memref_squeeze %dma_start3A_6 : memref<1x112xi32, #tpu.memory_space<vmem>> -> memref<112xi32, #tpu.memory_space<vmem>>
    %dma_start3A_8 = arith.constant 0 : i32
    %dma_start3A_9 = tpu.memref_slice %arg2[%add3A, %dma_start3A, %dma_start3A_8] : memref<32x179x112xi32, #tpu.memory_space<hbm>> -> memref<1x1x112xi32, #tpu.memory_space<hbm>>
    %dma_start3A_10 = tpu.memref_squeeze %dma_start3A_9 : memref<1x1x112xi32, #tpu.memory_space<hbm>> -> memref<112xi32, #tpu.memory_space<hbm>>
    %dma_start3A_11 = arith.constant 0 : i32
    %dma_start3A_12 = tpu.memref_slice %arg10[%rem3A_4, %dma_start3A_11] : memref<2x112xi32, #tpu.memory_space<vmem>> -> memref<1x112xi32, #tpu.memory_space<vmem>>
    %dma_start3A_13 = tpu.memref_squeeze %dma_start3A_12 : memref<1x112xi32, #tpu.memory_space<vmem>> -> memref<112xi32, #tpu.memory_space<vmem>>
    %dma_start3A_14 = arith.constant 0 : i32
    %dma_start3A_15 = tpu.memref_slice %arg2[%add3A, %dma_start3A, %dma_start3A_14] : memref<32x179x112xi32, #tpu.memory_space<hbm>> -> memref<1x1x112xi32, #tpu.memory_space<hbm>>
    %dma_start3A_16 = tpu.memref_squeeze %dma_start3A_15 : memref<1x1x112xi32, #tpu.memory_space<hbm>> -> memref<112xi32, #tpu.memory_space<hbm>>
    tpu.enqueue_dma source(%dma_start3A_16 : memref<112xi32, #tpu.memory_space<hbm>>) target(%dma_start3A_13 : memref<112xi32, #tpu.memory_space<vmem>>) target_semaphore(%arg15 : memref<!tpu.dma_semaphore, #tpu.memory_space<semaphore_mem>>)
    %rem3A_17 = arith.constant 0 : i32
    %rem3A_18 = arith.constant 4 : i32
    %rem3A_19 = arith.remsi %rem3A_17, %rem3A_18 : i32
    %dma_start3A_20 = arith.constant 0 : i32
    %dma_start3A_21 = arith.constant 0 : i32
    %dma_start3A_22 = tpu.memref_slice %arg11[%rem3A_19, %dma_start3A_21] : memref<4x112xi32, #tpu.memory_space<vmem>> -> memref<1x112xi32, #tpu.memory_space<vmem>>
    %dma_start3A_23 = tpu.memref_squeeze %dma_start3A_22 : memref<1x112xi32, #tpu.memory_space<vmem>> -> memref<112xi32, #tpu.memory_space<vmem>>
    %dma_start3A_24 = arith.constant 0 : i32
    %dma_start3A_25 = tpu.memref_slice %arg3[%add3A, %dma_start3A_20, %dma_start3A_24] : memref<32x179x112xi32, #tpu.memory_space<hbm>> -> memref<1x1x112xi32, #tpu.memory_space<hbm>>
    %dma_start3A_26 = tpu.memref_squeeze %dma_start3A_25 : memref<1x1x112xi32, #tpu.memory_space<hbm>> -> memref<112xi32, #tpu.memory_space<hbm>>
    %dma_start3A_27 = arith.constant 0 : i32
    %dma_start3A_28 = tpu.memref_slice %arg11[%rem3A_19, %dma_start3A_27] : memref<4x112xi32, #tpu.memory_space<vmem>> -> memref<1x112xi32, #tpu.memory_space<vmem>>
    %dma_start3A_29 = tpu.memref_squeeze %dma_start3A_28 : memref<1x112xi32, #tpu.memory_space<vmem>> -> memref<112xi32, #tpu.memory_space<vmem>>
    %dma_start3A_30 = arith.constant 0 : i32
    %dma_start3A_31 = tpu.memref_slice %arg3[%add3A, %dma_start3A_20, %dma_start3A_30] : memref<32x179x112xi32, #tpu.memory_space<hbm>> -> memref<1x1x112xi32, #tpu.memory_space<hbm>>
    %dma_start3A_32 = tpu.memref_squeeze %dma_start3A_31 : memref<1x1x112xi32, #tpu.memory_space<hbm>> -> memref<112xi32, #tpu.memory_space<hbm>>
    tpu.enqueue_dma source(%dma_start3A_32 : memref<112xi32, #tpu.memory_space<hbm>>) target(%dma_start3A_29 : memref<112xi32, #tpu.memory_space<vmem>>) target_semaphore(%arg15 : memref<!tpu.dma_semaphore, #tpu.memory_space<semaphore_mem>>)
    %rem3A_33 = arith.constant 0 : i32
    %rem3A_34 = arith.constant 3 : i32
    %rem3A_35 = arith.remsi %rem3A_33, %rem3A_34 : i32
    %dma_start3A_36 = arith.constant 0 : i32
    %dma_start3A_37 = arith.constant 0 : i32
    %dma_start3A_38 = tpu.memref_slice %arg12[%rem3A_35, %dma_start3A_37] : memref<3x112xi32, #tpu.memory_space<vmem>> -> memref<1x112xi32, #tpu.memory_space<vmem>>
    %dma_start3A_39 = tpu.memref_squeeze %dma_start3A_38 : memref<1x112xi32, #tpu.memory_space<vmem>> -> memref<112xi32, #tpu.memory_space<vmem>>
    %dma_start3A_40 = arith.constant 0 : i32
    %dma_start3A_41 = tpu.memref_slice %arg4[%add3A, %dma_start3A_36, %dma_start3A_40] : memref<32x179x112xi32, #tpu.memory_space<hbm>> -> memref<1x1x112xi32, #tpu.memory_space<hbm>>
    %dma_start3A_42 = tpu.memref_squeeze %dma_start3A_41 : memref<1x1x112xi32, #tpu.memory_space<hbm>> -> memref<112xi32, #tpu.memory_space<hbm>>
    %dma_start3A_43 = arith.constant 0 : i32
    %dma_start3A_44 = tpu.memref_slice %arg12[%rem3A_35, %dma_start3A_43] : memref<3x112xi32, #tpu.memory_space<vmem>> -> memref<1x112xi32, #tpu.memory_space<vmem>>
    %dma_start3A_45 = tpu.memref_squeeze %dma_start3A_44 : memref<1x112xi32, #tpu.memory_space<vmem>> -> memref<112xi32, #tpu.memory_space<vmem>>
    %dma_start3A_46 = arith.constant 0 : i32
    %dma_start3A_47 = tpu.memref_slice %arg4[%add3A, %dma_start3A_36, %dma_start3A_46] : memref<32x179x112xi32, #tpu.memory_space<hbm>> -> memref<1x1x112xi32, #tpu.memory_space<hbm>>
    %dma_start3A_48 = tpu.memref_squeeze %dma_start3A_47 : memref<1x1x112xi32, #tpu.memory_space<hbm>> -> memref<112xi32, #tpu.memory_space<hbm>>
    tpu.enqueue_dma source(%dma_start3A_48 : memref<112xi32, #tpu.memory_space<hbm>>) target(%dma_start3A_45 : memref<112xi32, #tpu.memory_space<vmem>>) target_semaphore(%arg15 : memref<!tpu.dma_semaphore, #tpu.memory_space<semaphore_mem>>)
    %rem3A_49 = arith.constant 1 : i32
    %rem3A_50 = arith.constant 2 : i32
    %rem3A_51 = arith.remsi %rem3A_49, %rem3A_50 : i32
    %dma_start3A_52 = arith.constant 1 : i32
    %dma_start3A_53 = arith.constant 0 : i32
    %dma_start3A_54 = tpu.memref_slice %arg10[%rem3A_51, %dma_start3A_53] : memref<2x112xi32, #tpu.memory_space<vmem>> -> memref<1x112xi32, #tpu.memory_space<vmem>>
    %dma_start3A_55 = tpu.memref_squeeze %dma_start3A_54 : memref<1x112xi32, #tpu.memory_space<vmem>> -> memref<112xi32, #tpu.memory_space<vmem>>
    %dma_start3A_56 = arith.constant 0 : i32
    %dma_start3A_57 = tpu.memref_slice %arg2[%add3A, %dma_start3A_52, %dma_start3A_56] : memref<32x179x112xi32, #tpu.memory_space<hbm>> -> memref<1x1x112xi32, #tpu.memory_space<hbm>>
    %dma_start3A_58 = tpu.memref_squeeze %dma_start3A_57 : memref<1x1x112xi32, #tpu.memory_space<hbm>> -> memref<112xi32, #tpu.memory_space<hbm>>
    %dma_start3A_59 = arith.constant 0 : i32
    %dma_start3A_60 = tpu.memref_slice %arg10[%rem3A_51, %dma_start3A_59] : memref<2x112xi32, #tpu.memory_space<vmem>> -> memref<1x112xi32, #tpu.memory_space<vmem>>
    %dma_start3A_61 = tpu.memref_squeeze %dma_start3A_60 : memref<1x112xi32, #tpu.memory_space<vmem>> -> memref<112xi32, #tpu.memory_space<vmem>>
    %dma_start3A_62 = arith.constant 0 : i32
    %dma_start3A_63 = tpu.memref_slice %arg2[%add3A, %dma_start3A_52, %dma_start3A_62] : memref<32x179x112xi32, #tpu.memory_space<hbm>> -> memref<1x1x112xi32, #tpu.memory_space<hbm>>
    %dma_start3A_64 = tpu.memref_squeeze %dma_start3A_63 : memref<1x1x112xi32, #tpu.memory_space<hbm>> -> memref<112xi32, #tpu.memory_space<hbm>>
    tpu.enqueue_dma source(%dma_start3A_64 : memref<112xi32, #tpu.memory_space<hbm>>) target(%dma_start3A_61 : memref<112xi32, #tpu.memory_space<vmem>>) target_semaphore(%arg15 : memref<!tpu.dma_semaphore, #tpu.memory_space<semaphore_mem>>)
    %rem3A_65 = arith.constant 1 : i32
    %rem3A_66 = arith.constant 4 : i32
    %rem3A_67 = arith.remsi %rem3A_65, %rem3A_66 : i32
    %dma_start3A_68 = arith.constant 1 : i32
    %dma_start3A_69 = arith.constant 0 : i32
    %dma_start3A_70 = tpu.memref_slice %arg11[%rem3A_67, %dma_start3A_69] : memref<4x112xi32, #tpu.memory_space<vmem>> -> memref<1x112xi32, #tpu.memory_space<vmem>>
    %dma_start3A_71 = tpu.memref_squeeze %dma_start3A_70 : memref<1x112xi32, #tpu.memory_space<vmem>> -> memref<112xi32, #tpu.memory_space<vmem>>
    %dma_start3A_72 = arith.constant 0 : i32
    %dma_start3A_73 = tpu.memref_slice %arg3[%add3A, %dma_start3A_68, %dma_start3A_72] : memref<32x179x112xi32, #tpu.memory_space<hbm>> -> memref<1x1x112xi32, #tpu.memory_space<hbm>>
    %dma_start3A_74 = tpu.memref_squeeze %dma_start3A_73 : memref<1x1x112xi32, #tpu.memory_space<hbm>> -> memref<112xi32, #tpu.memory_space<hbm>>
    %dma_start3A_75 = arith.constant 0 : i32
    %dma_start3A_76 = tpu.memref_slice %arg11[%rem3A_67, %dma_start3A_75] : memref<4x112xi32, #tpu.memory_space<vmem>> -> memref<1x112xi32, #tpu.memory_space<vmem>>
    %dma_start3A_77 = tpu.memref_squeeze %dma_start3A_76 : memref<1x112xi32, #tpu.memory_space<vmem>> -> memref<112xi32, #tpu.memory_space<vmem>>
    %dma_start3A_78 = arith.constant 0 : i32
    %dma_start3A_79 = tpu.memref_slice %arg3[%add3A, %dma_start3A_68, %dma_start3A_78] : memref<32x179x112xi32, #tpu.memory_space<hbm>> -> memref<1x1x112xi32, #tpu.memory_space<hbm>>
    %dma_start3A_80 = tpu.memref_squeeze %dma_start3A_79 : memref<1x1x112xi32, #tpu.memory_space<hbm>> -> memref<112xi32, #tpu.memory_space<hbm>>
    tpu.enqueue_dma source(%dma_start3A_80 : memref<112xi32, #tpu.memory_space<hbm>>) target(%dma_start3A_77 : memref<112xi32, #tpu.memory_space<vmem>>) target_semaphore(%arg15 : memref<!tpu.dma_semaphore, #tpu.memory_space<semaphore_mem>>)
    %rem3A_81 = arith.constant 1 : i32
    %rem3A_82 = arith.constant 3 : i32
    %rem3A_83 = arith.remsi %rem3A_81, %rem3A_82 : i32
    %dma_start3A_84 = arith.constant 1 : i32
    %dma_start3A_85 = arith.constant 0 : i32
    %dma_start3A_86 = tpu.memref_slice %arg12[%rem3A_83, %dma_start3A_85] : memref<3x112xi32, #tpu.memory_space<vmem>> -> memref<1x112xi32, #tpu.memory_space<vmem>>
    %dma_start3A_87 = tpu.memref_squeeze %dma_start3A_86 : memref<1x112xi32, #tpu.memory_space<vmem>> -> memref<112xi32, #tpu.memory_space<vmem>>
    %dma_start3A_88 = arith.constant 0 : i32
    %dma_start3A_89 = tpu.memref_slice %arg4[%add3A, %dma_start3A_84, %dma_start3A_88] : memref<32x179x112xi32, #tpu.memory_space<hbm>> -> memref<1x1x112xi32, #tpu.memory_space<hbm>>
    %dma_start3A_90 = tpu.memref_squeeze %dma_start3A_89 : memref<1x1x112xi32, #tpu.memory_space<hbm>> -> memref<112xi32, #tpu.memory_space<hbm>>
    %dma_start3A_91 = arith.constant 0 : i32
    %dma_start3A_92 = tpu.memref_slice %arg12[%rem3A_83, %dma_start3A_91] : memref<3x112xi32, #tpu.memory_space<vmem>> -> memref<1x112xi32, #tpu.memory_space<vmem>>
    %dma_start3A_93 = tpu.memref_squeeze %dma_start3A_92 : memref<1x112xi32, #tpu.memory_space<vmem>> -> memref<112xi32, #tpu.memory_space<vmem>>
    %dma_start3A_94 = arith.constant 0 : i32
    %dma_start3A_95 = tpu.memref_slice %arg4[%add3A, %dma_start3A_84, %dma_start3A_94] : memref<32x179x112xi32, #tpu.memory_space<hbm>> -> memref<1x1x112xi32, #tpu.memory_space<hbm>>
    %dma_start3A_96 = tpu.memref_squeeze %dma_start3A_95 : memref<1x1x112xi32, #tpu.memory_space<hbm>> -> memref<112xi32, #tpu.memory_space<hbm>>
    tpu.enqueue_dma source(%dma_start3A_96 : memref<112xi32, #tpu.memory_space<hbm>>) target(%dma_start3A_93 : memref<112xi32, #tpu.memory_space<vmem>>) target_semaphore(%arg15 : memref<!tpu.dma_semaphore, #tpu.memory_space<semaphore_mem>>)
    %rem3A_97 = arith.constant 0 : i32
    %rem3A_98 = arith.constant 2 : i32
    %rem3A_99 = arith.remsi %rem3A_97, %rem3A_98 : i32
    %dma_wait3A = arith.constant 0 : i32
    %dma_wait3A_100 = arith.constant 0 : i32
    %dma_wait3A_101 = tpu.memref_slice %arg10[%rem3A_99, %dma_wait3A_100] : memref<2x112xi32, #tpu.memory_space<vmem>> -> memref<1x112xi32, #tpu.memory_space<vmem>>
    %dma_wait3A_102 = tpu.memref_squeeze %dma_wait3A_101 : memref<1x112xi32, #tpu.memory_space<vmem>> -> memref<112xi32, #tpu.memory_space<vmem>>
    %dma_wait3A_103 = arith.constant 0 : i32
    %dma_wait3A_104 = tpu.memref_slice %arg2[%add3A, %dma_wait3A, %dma_wait3A_103] : memref<32x179x112xi32, #tpu.memory_space<hbm>> -> memref<1x1x112xi32, #tpu.memory_space<hbm>>
    %dma_wait3A_105 = tpu.memref_squeeze %dma_wait3A_104 : memref<1x1x112xi32, #tpu.memory_space<hbm>> -> memref<112xi32, #tpu.memory_space<hbm>>
    %dma_wait3A_106 = arith.constant 0 : i32
    %dma_wait3A_107 = tpu.memref_slice %arg10[%rem3A_99, %dma_wait3A_106] : memref<2x112xi32, #tpu.memory_space<vmem>> -> memref<1x112xi32, #tpu.memory_space<vmem>>
    %dma_wait3A_108 = tpu.memref_squeeze %dma_wait3A_107 : memref<1x112xi32, #tpu.memory_space<vmem>> -> memref<112xi32, #tpu.memory_space<vmem>>
    %dma_wait3A_109 = arith.constant 0 : i32
    %dma_wait3A_110 = tpu.memref_slice %arg2[%add3A, %dma_wait3A, %dma_wait3A_109] : memref<32x179x112xi32, #tpu.memory_space<hbm>> -> memref<1x1x112xi32, #tpu.memory_space<hbm>>
    %dma_wait3A_111 = tpu.memref_squeeze %dma_wait3A_110 : memref<1x1x112xi32, #tpu.memory_space<hbm>> -> memref<112xi32, #tpu.memory_space<hbm>>
    tpu.wait_dma2 semaphore(%arg15 : memref<!tpu.dma_semaphore, #tpu.memory_space<semaphore_mem>>) src(%dma_wait3A_111 : memref<112xi32, #tpu.memory_space<hbm>>) dst(%dma_wait3A_108 : memref<112xi32, #tpu.memory_space<vmem>>)
    %rem3A_112 = arith.constant 0 : i32
    %rem3A_113 = arith.constant 4 : i32
    %rem3A_114 = arith.remsi %rem3A_112, %rem3A_113 : i32
    %dma_wait3A_115 = arith.constant 0 : i32
    %dma_wait3A_116 = arith.constant 0 : i32
    %dma_wait3A_117 = tpu.memref_slice %arg11[%rem3A_114, %dma_wait3A_116] : memref<4x112xi32, #tpu.memory_space<vmem>> -> memref<1x112xi32, #tpu.memory_space<vmem>>
    %dma_wait3A_118 = tpu.memref_squeeze %dma_wait3A_117 : memref<1x112xi32, #tpu.memory_space<vmem>> -> memref<112xi32, #tpu.memory_space<vmem>>
    %dma_wait3A_119 = arith.constant 0 : i32
    %dma_wait3A_120 = tpu.memref_slice %arg3[%add3A, %dma_wait3A_115, %dma_wait3A_119] : memref<32x179x112xi32, #tpu.memory_space<hbm>> -> memref<1x1x112xi32, #tpu.memory_space<hbm>>
    %dma_wait3A_121 = tpu.memref_squeeze %dma_wait3A_120 : memref<1x1x112xi32, #tpu.memory_space<hbm>> -> memref<112xi32, #tpu.memory_space<hbm>>
    %dma_wait3A_122 = arith.constant 0 : i32
    %dma_wait3A_123 = tpu.memref_slice %arg11[%rem3A_114, %dma_wait3A_122] : memref<4x112xi32, #tpu.memory_space<vmem>> -> memref<1x112xi32, #tpu.memory_space<vmem>>
    %dma_wait3A_124 = tpu.memref_squeeze %dma_wait3A_123 : memref<1x112xi32, #tpu.memory_space<vmem>> -> memref<112xi32, #tpu.memory_space<vmem>>
    %dma_wait3A_125 = arith.constant 0 : i32
    %dma_wait3A_126 = tpu.memref_slice %arg3[%add3A, %dma_wait3A_115, %dma_wait3A_125] : memref<32x179x112xi32, #tpu.memory_space<hbm>> -> memref<1x1x112xi32, #tpu.memory_space<hbm>>
    %dma_wait3A_127 = tpu.memref_squeeze %dma_wait3A_126 : memref<1x1x112xi32, #tpu.memory_space<hbm>> -> memref<112xi32, #tpu.memory_space<hbm>>
    tpu.wait_dma2 semaphore(%arg15 : memref<!tpu.dma_semaphore, #tpu.memory_space<semaphore_mem>>) src(%dma_wait3A_127 : memref<112xi32, #tpu.memory_space<hbm>>) dst(%dma_wait3A_124 : memref<112xi32, #tpu.memory_space<vmem>>)
    %rem3A_128 = arith.constant 0 : i32
    %rem3A_129 = arith.constant 3 : i32
    %rem3A_130 = arith.remsi %rem3A_128, %rem3A_129 : i32
    %dma_wait3A_131 = arith.constant 0 : i32
    %dma_wait3A_132 = arith.constant 0 : i32
    %dma_wait3A_133 = tpu.memref_slice %arg12[%rem3A_130, %dma_wait3A_132] : memref<3x112xi32, #tpu.memory_space<vmem>> -> memref<1x112xi32, #tpu.memory_space<vmem>>
    %dma_wait3A_134 = tpu.memref_squeeze %dma_wait3A_133 : memref<1x112xi32, #tpu.memory_space<vmem>> -> memref<112xi32, #tpu.memory_space<vmem>>
    %dma_wait3A_135 = arith.constant 0 : i32
    %dma_wait3A_136 = tpu.memref_slice %arg4[%add3A, %dma_wait3A_131, %dma_wait3A_135] : memref<32x179x112xi32, #tpu.memory_space<hbm>> -> memref<1x1x112xi32, #tpu.memory_space<hbm>>
    %dma_wait3A_137 = tpu.memref_squeeze %dma_wait3A_136 : memref<1x1x112xi32, #tpu.memory_space<hbm>> -> memref<112xi32, #tpu.memory_space<hbm>>
    %dma_wait3A_138 = arith.constant 0 : i32
    %dma_wait3A_139 = tpu.memref_slice %arg12[%rem3A_130, %dma_wait3A_138] : memref<3x112xi32, #tpu.memory_space<vmem>> -> memref<1x112xi32, #tpu.memory_space<vmem>>
    %dma_wait3A_140 = tpu.memref_squeeze %dma_wait3A_139 : memref<1x112xi32, #tpu.memory_space<vmem>> -> memref<112xi32, #tpu.memory_space<vmem>>
    %dma_wait3A_141 = arith.constant 0 : i32
    %dma_wait3A_142 = tpu.memref_slice %arg4[%add3A, %dma_wait3A_131, %dma_wait3A_141] : memref<32x179x112xi32, #tpu.memory_space<hbm>> -> memref<1x1x112xi32, #tpu.memory_space<hbm>>
    %dma_wait3A_143 = tpu.memref_squeeze %dma_wait3A_142 : memref<1x1x112xi32, #tpu.memory_space<hbm>> -> memref<112xi32, #tpu.memory_space<hbm>>
    tpu.wait_dma2 semaphore(%arg15 : memref<!tpu.dma_semaphore, #tpu.memory_space<semaphore_mem>>) src(%dma_wait3A_143 : memref<112xi32, #tpu.memory_space<hbm>>) dst(%dma_wait3A_140 : memref<112xi32, #tpu.memory_space<vmem>>)
    %rem3A_144 = arith.constant 0 : i32
    %rem3A_145 = arith.constant 2 : i32
    %rem3A_146 = arith.remsi %rem3A_144, %rem3A_145 : i32
    %rem3A_147 = arith.constant 0 : i32
    %rem3A_148 = arith.constant 3 : i32
    %rem3A_149 = arith.remsi %rem3A_147, %rem3A_148 : i32
    %scan3A = arith.constant 0 : i32
    %scan3A_150 = arith.constant 0 : i32
    %mul3A_151 = arith.constant 16 : i32
    %mul3A_152 = arith.muli %scan3A_150, %mul3A_151 : i32
    %get3A = arith.index_cast %rem3A_146 : i32 to index
    %get3A_153 = arith.index_cast %mul3A_152 : i32 to index
    %get3A_154 = tpu.vector_load %arg10[%get3A, %get3A_153] {strides = array<i32>} : memref<2x112xi32, #tpu.memory_space<vmem>>, vector<16xi32>,
    %shift_right_arithmetic3A = arith.constant 2 : i32
    %shift_right_arithmetic3A_155 = vector.broadcast %shift_right_arithmetic3A : i32 to vector<16xi32>
    %shift_right_arithmetic3A_156 = arith.shrsi %get3A_154, %shift_right_arithmetic3A_155 : vector<16xi32>
    %gather3A = tpu.vector_load_idx %arg9[%shift_right_arithmetic3A_156] : memref<2500xi32, #tpu.memory_space<vmem>>[vector<16xi32>], vector<16xi32>,
    %and3A = arith.constant 3 : i32
    %and3A_157 = vector.broadcast %and3A : i32 to vector<16xi32>
    %and3A_158 = arith.andi %get3A_154, %and3A_157 : vector<16xi32>
    %shift_left3A = arith.constant 3 : i32
    %shift_left3A_159 = vector.broadcast %shift_left3A : i32 to vector<16xi32>
    %shift_left3A_160 = arith.shli %and3A_158, %shift_left3A_159 : vector<16xi32>
    %shift_right_arithmetic3A_161 = arith.shrsi %gather3A, %shift_left3A_160 : vector<16xi32>
    %and3A_162 = arith.constant 255 : i32
    %and3A_163 = vector.broadcast %and3A_162 : i32 to vector<16xi32>
    %and3A_164 = arith.andi %shift_right_arithmetic3A_161, %and3A_163 : vector<16xi32>
    %mul3A_165 = arith.constant 16 : i32
    %mul3A_166 = vector.broadcast %mul3A_165 : i32 to vector<16xi32>
    %mul3A_167 = arith.muli %and3A_164, %mul3A_166 : vector<16xi32>
    %get3A_168 = arith.index_cast %rem3A_149 : i32 to index
    %get3A_169 = arith.index_cast %mul3A_152 : i32 to index
    %get3A_170 = tpu.vector_load %arg12[%get3A_168, %get3A_169] {strides = array<i32>} : memref<3x112xi32, #tpu.memory_space<vmem>>, vector<16xi32>,
    %add3A_171 = arith.addi %mul3A_167, %get3A_170 : vector<16xi32>
    %swap3A = arith.index_cast %rem3A_149 : i32 to index
    %swap3A_172 = arith.index_cast %mul3A_152 : i32 to index
    %swap3A_173 = tpu.vector_load %arg12[%swap3A, %swap3A_172] {strides = array<i32>} : memref<3x112xi32, #tpu.memory_space<vmem>>, vector<16xi32>,
    tpu.vector_store %arg12[%swap3A, %swap3A_172], %add3A_171 {strides = array<i32>} : memref<3x112xi32, #tpu.memory_space<vmem>>, vector<16xi32>,
    %scan3A_174 = arith.constant 1 : i32
    %mul3A_175 = arith.constant 16 : i32
    %mul3A_176 = arith.muli %scan3A_174, %mul3A_175 : i32
    %get3A_177 = arith.index_cast %rem3A_146 : i32 to index
    %get3A_178 = arith.index_cast %mul3A_176 : i32 to index
    %get3A_179 = tpu.vector_load %arg10[%get3A_177, %get3A_178] {strides = array<i32>} : memref<2x112xi32, #tpu.memory_space<vmem>>, vector<16xi32>,
    %shift_right_arithmetic3A_180 = arith.constant 2 : i32
    %shift_right_arithmetic3A_181 = vector.broadcast %shift_right_arithmetic3A_180 : i32 to vector<16xi32>
    %shift_right_arithmetic3A_182 = arith.shrsi %get3A_179, %shift_right_arithmetic3A_181 : vector<16xi32>
    %gather3A_183 = tpu.vector_load_idx %arg9[%shift_right_arithmetic3A_182] : memref<2500xi32, #tpu.memory_space<vmem>>[vector<16xi32>], vector<16xi32>,
    %and3A_184 = arith.constant 3 : i32
    %and3A_185 = vector.broadcast %and3A_184 : i32 to vector<16xi32>
    %and3A_186 = arith.andi %get3A_179, %and3A_185 : vector<16xi32>
    %shift_left3A_187 = arith.constant 3 : i32
    %shift_left3A_188 = vector.broadcast %shift_left3A_187 : i32 to vector<16xi32>
    %shift_left3A_189 = arith.shli %and3A_186, %shift_left3A_188 : vector<16xi32>
    %shift_right_arithmetic3A_190 = arith.shrsi %gather3A_183, %shift_left3A_189 : vector<16xi32>
    %and3A_191 = arith.constant 255 : i32
    %and3A_192 = vector.broadcast %and3A_191 : i32 to vector<16xi32>
    %and3A_193 = arith.andi %shift_right_arithmetic3A_190, %and3A_192 : vector<16xi32>
    %mul3A_194 = arith.constant 16 : i32
    %mul3A_195 = vector.broadcast %mul3A_194 : i32 to vector<16xi32>
    %mul3A_196 = arith.muli %and3A_193, %mul3A_195 : vector<16xi32>
    %get3A_197 = arith.index_cast %rem3A_149 : i32 to index
    %get3A_198 = arith.index_cast %mul3A_176 : i32 to index
    %get3A_199 = tpu.vector_load %arg12[%get3A_197, %get3A_198] {strides = array<i32>} : memref<3x112xi32, #tpu.memory_space<vmem>>, vector<16xi32>,
    %add3A_200 = arith.addi %mul3A_196, %get3A_199 : vector<16xi32>
    %swap3A_201 = arith.index_cast %rem3A_149 : i32 to index
    %swap3A_202 = arith.index_cast %mul3A_176 : i32 to index
    %swap3A_203 = tpu.vector_load %arg12[%swap3A_201, %swap3A_202] {strides = array<i32>} : memref<3x112xi32, #tpu.memory_space<vmem>>, vector<16xi32>,
    tpu.vector_store %arg12[%swap3A_201, %swap3A_202], %add3A_200 {strides = array<i32>} : memref<3x112xi32, #tpu.memory_space<vmem>>, vector<16xi32>,
    %scan3A_204 = arith.constant 2 : i32
    %mul3A_205 = arith.constant 16 : i32
    %mul3A_206 = arith.muli %scan3A_204, %mul3A_205 : i32
    %get3A_207 = arith.index_cast %rem3A_146 : i32 to index
    %get3A_208 = arith.index_cast %mul3A_206 : i32 to index
    %get3A_209 = tpu.vector_load %arg10[%get3A_207, %get3A_208] {strides = array<i32>} : memref<2x112xi32, #tpu.memory_space<vmem>>, vector<16xi32>,
    %shift_right_arithmetic3A_210 = arith.constant 2 : i32
    %shift_right_arithmetic3A_211 = vector.broadcast %shift_right_arithmetic3A_210 : i32 to vector<16xi32>
    %shift_right_arithmetic3A_212 = arith.shrsi %get3A_209, %shift_right_arithmetic3A_211 : vector<16xi32>
    %gather3A_213 = tpu.vector_load_idx %arg9[%shift_right_arithmetic3A_212] : memref<2500xi32, #tpu.memory_space<vmem>>[vector<16xi32>], vector<16xi32>,
    %and3A_214 = arith.constant 3 : i32
    %and3A_215 = vector.broadcast %and3A_214 : i32 to vector<16xi32>
    %and3A_216 = arith.andi %get3A_209, %and3A_215 : vector<16xi32>
    %shift_left3A_217 = arith.constant 3 : i32
    %shift_left3A_218 = vector.broadcast %shift_left3A_217 : i32 to vector<16xi32>
    %shift_left3A_219 = arith.shli %and3A_216, %shift_left3A_218 : vector<16xi32>
    %shift_right_arithmetic3A_220 = arith.shrsi %gather3A_213, %shift_left3A_219 : vector<16xi32>
    %and3A_221 = arith.constant 255 : i32
    %and3A_222 = vector.broadcast %and3A_221 : i32 to vector<16xi32>
    %and3A_223 = arith.andi %shift_right_arithmetic3A_220, %and3A_222 : vector<16xi32>
    %mul3A_224 = arith.constant 16 : i32
    %mul3A_225 = vector.broadcast %mul3A_224 : i32 to vector<16xi32>
    %mul3A_226 = arith.muli %and3A_223, %mul3A_225 : vector<16xi32>
    %get3A_227 = arith.index_cast %rem3A_149 : i32 to index
    %get3A_228 = arith.index_cast %mul3A_206 : i32 to index
    %get3A_229 = tpu.vector_load %arg12[%get3A_227, %get3A_228] {strides = array<i32>} : memref<3x112xi32, #tpu.memory_space<vmem>>, vector<16xi32>,
    %add3A_230 = arith.addi %mul3A_226, %get3A_229 : vector<16xi32>
    %swap3A_231 = arith.index_cast %rem3A_149 : i32 to index
    %swap3A_232 = arith.index_cast %mul3A_206 : i32 to index
    %swap3A_233 = tpu.vector_load %arg12[%swap3A_231, %swap3A_232] {strides = array<i32>} : memref<3x112xi32, #tpu.memory_space<vmem>>, vector<16xi32>,
    tpu.vector_store %arg12[%swap3A_231, %swap3A_232], %add3A_230 {strides = array<i32>} : memref<3x112xi32, #tpu.memory_space<vmem>>, vector<16xi32>,
    %scan3A_234 = arith.constant 3 : i32
    %mul3A_235 = arith.constant 16 : i32
    %mul3A_236 = arith.muli %scan3A_234, %mul3A_235 : i32
    %get3A_237 = arith.index_cast %rem3A_146 : i32 to index
    %get3A_238 = arith.index_cast %mul3A_236 : i32 to index
    %get3A_239 = tpu.vector_load %arg10[%get3A_237, %get3A_238] {strides = array<i32>} : memref<2x112xi32, #tpu.memory_space<vmem>>, vector<16xi32>,
    %shift_right_arithmetic3A_240 = arith.constant 2 : i32
    %shift_right_arithmetic3A_241 = vector.broadcast %shift_right_arithmetic3A_240 : i32 to vector<16xi32>
    %shift_right_arithmetic3A_242 = arith.shrsi %get3A_239, %shift_right_arithmetic3A_241 : vector<16xi32>
    %gather3A_243 = tpu.vector_load_idx %arg9[%shift_right_arithmetic3A_242] : memref<2500xi32, #tpu.memory_space<vmem>>[vector<16xi32>], vector<16xi32>,
    %and3A_244 = arith.constant 3 : i32
    %and3A_245 = vector.broadcast %and3A_244 : i32 to vector<16xi32>
    %and3A_246 = arith.andi %get3A_239, %and3A_245 : vector<16xi32>
    %shift_left3A_247 = arith.constant 3 : i32
    %shift_left3A_248 = vector.broadcast %shift_left3A_247 : i32 to vector<16xi32>
    %shift_left3A_249 = arith.shli %and3A_246, %shift_left3A_248 : vector<16xi32>
    %shift_right_arithmetic3A_250 = arith.shrsi %gather3A_243, %shift_left3A_249 : vector<16xi32>
    %and3A_251 = arith.constant 255 : i32
    %and3A_252 = vector.broadcast %and3A_251 : i32 to vector<16xi32>
    %and3A_253 = arith.andi %shift_right_arithmetic3A_250, %and3A_252 : vector<16xi32>
    %mul3A_254 = arith.constant 16 : i32
    %mul3A_255 = vector.broadcast %mul3A_254 : i32 to vector<16xi32>
    %mul3A_256 = arith.muli %and3A_253, %mul3A_255 : vector<16xi32>
    %get3A_257 = arith.index_cast %rem3A_149 : i32 to index
    %get3A_258 = arith.index_cast %mul3A_236 : i32 to index
    %get3A_259 = tpu.vector_load %arg12[%get3A_257, %get3A_258] {strides = array<i32>} : memref<3x112xi32, #tpu.memory_space<vmem>>, vector<16xi32>,
    %add3A_260 = arith.addi %mul3A_256, %get3A_259 : vector<16xi32>
    %swap3A_261 = arith.index_cast %rem3A_149 : i32 to index
    %swap3A_262 = arith.index_cast %mul3A_236 : i32 to index
    %swap3A_263 = tpu.vector_load %arg12[%swap3A_261, %swap3A_262] {strides = array<i32>} : memref<3x112xi32, #tpu.memory_space<vmem>>, vector<16xi32>,
    tpu.vector_store %arg12[%swap3A_261, %swap3A_262], %add3A_260 {strides = array<i32>} : memref<3x112xi32, #tpu.memory_space<vmem>>, vector<16xi32>,
    %scan3A_264 = arith.constant 4 : i32
    %mul3A_265 = arith.constant 16 : i32
    %mul3A_266 = arith.muli %scan3A_264, %mul3A_265 : i32
    %get3A_267 = arith.index_cast %rem3A_146 : i32 to index
    %get3A_268 = arith.index_cast %mul3A_266 : i32 to index
    %get3A_269 = tpu.vector_load %arg10[%get3A_267, %get3A_268] {strides = array<i32>} : memref<2x112xi32, #tpu.memory_space<vmem>>, vector<16xi32>,
    %shift_right_arithmetic3A_270 = arith.constant 2 : i32
    %shift_right_arithmetic3A_271 = vector.broadcast %shift_right_arithmetic3A_270 : i32 to vector<16xi32>
    %shift_right_arithmetic3A_272 = arith.shrsi %get3A_269, %shift_right_arithmetic3A_271 : vector<16xi32>
    %gather3A_273 = tpu.vector_load_idx %arg9[%shift_right_arithmetic3A_272] : memref<2500xi32, #tpu.memory_space<vmem>>[vector<16xi32>], vector<16xi32>,
    %and3A_274 = arith.constant 3 : i32
    %and3A_275 = vector.broadcast %and3A_274 : i32 to vector<16xi32>
    %and3A_276 = arith.andi %get3A_269, %and3A_275 : vector<16xi32>
    %shift_left3A_277 = arith.constant 3 : i32
    %shift_left3A_278 = vector.broadcast %shift_left3A_277 : i32 to vector<16xi32>
    %shift_left3A_279 = arith.shli %and3A_276, %shift_left3A_278 : vector<16xi32>
    %shift_right_arithmetic3A_280 = arith.shrsi %gather3A_273, %shift_left3A_279 : vector<16xi32>
    %and3A_281 = arith.constant 255 : i32
    %and3A_282 = vector.broadcast %and3A_281 : i32 to vector<16xi32>
    %and3A_283 = arith.andi %shift_right_arithmetic3A_280, %and3A_282 : vector<16xi32>
    %mul3A_284 = arith.constant 16 : i32
    %mul3A_285 = vector.broadcast %mul3A_284 : i32 to vector<16xi32>
    %mul3A_286 = arith.muli %and3A_283, %mul3A_285 : vector<16xi32>
    %get3A_287 = arith.index_cast %rem3A_149 : i32 to index
    %get3A_288 = arith.index_cast %mul3A_266 : i32 to index
    %get3A_289 = tpu.vector_load %arg12[%get3A_287, %get3A_288] {strides = array<i32>} : memref<3x112xi32, #tpu.memory_space<vmem>>, vector<16xi32>,
    %add3A_290 = arith.addi %mul3A_286, %get3A_289 : vector<16xi32>
    %swap3A_291 = arith.index_cast %rem3A_149 : i32 to index
    %swap3A_292 = arith.index_cast %mul3A_266 : i32 to index
    %swap3A_293 = tpu.vector_load %arg12[%swap3A_291, %swap3A_292] {strides = array<i32>} : memref<3x112xi32, #tpu.memory_space<vmem>>, vector<16xi32>,
    tpu.vector_store %arg12[%swap3A_291, %swap3A_292], %add3A_290 {strides = array<i32>} : memref<3x112xi32, #tpu.memory_space<vmem>>, vector<16xi32>,
    %scan3A_294 = arith.constant 5 : i32
    %mul3A_295 = arith.constant 16 : i32
    %mul3A_296 = arith.muli %scan3A_294, %mul3A_295 : i32
    %get3A_297 = arith.index_cast %rem3A_146 : i32 to index
    %get3A_298 = arith.index_cast %mul3A_296 : i32 to index
    %get3A_299 = tpu.vector_load %arg10[%get3A_297, %get3A_298] {strides = array<i32>} : memref<2x112xi32, #tpu.memory_space<vmem>>, vector<16xi32>,
    %shift_right_arithmetic3A_300 = arith.constant 2 : i32
    %shift_right_arithmetic3A_301 = vector.broadcast %shift_right_arithmetic3A_300 : i32 to vector<16xi32>
    %shift_right_arithmetic3A_302 = arith.shrsi %get3A_299, %shift_right_arithmetic3A_301 : vector<16xi32>
    %gather3A_303 = tpu.vector_load_idx %arg9[%shift_right_arithmetic3A_302] : memref<2500xi32, #tpu.memory_space<vmem>>[vector<16xi32>], vector<16xi32>,
    %and3A_304 = arith.constant 3 : i32
    %and3A_305 = vector.broadcast %and3A_304 : i32 to vector<16xi32>
    %and3A_306 = arith.andi %get3A_299, %and3A_305 : vector<16xi32>
    %shift_left3A_307 = arith.constant 3 : i32
    %shift_left3A_308 = vector.broadcast %shift_left3A_307 : i32 to vector<16xi32>
    %shift_left3A_309 = arith.shli %and3A_306, %shift_left3A_308 : vector<16xi32>
    %shift_right_arithmetic3A_310 = arith.shrsi %gather3A_303, %shift_left3A_309 : vector<16xi32>
    %and3A_311 = arith.constant 255 : i32
    %and3A_312 = vector.broadcast %and3A_311 : i32 to vector<16xi32>
    %and3A_313 = arith.andi %shift_right_arithmetic3A_310, %and3A_312 : vector<16xi32>
    %mul3A_314 = arith.constant 16 : i32
    %mul3A_315 = vector.broadcast %mul3A_314 : i32 to vector<16xi32>
    %mul3A_316 = arith.muli %and3A_313, %mul3A_315 : vector<16xi32>
    %get3A_317 = arith.index_cast %rem3A_149 : i32 to index
    %get3A_318 = arith.index_cast %mul3A_296 : i32 to index
    %get3A_319 = tpu.vector_load %arg12[%get3A_317, %get3A_318] {strides = array<i32>} : memref<3x112xi32, #tpu.memory_space<vmem>>, vector<16xi32>,
    %add3A_320 = arith.addi %mul3A_316, %get3A_319 : vector<16xi32>
    %swap3A_321 = arith.index_cast %rem3A_149 : i32 to index
    %swap3A_322 = arith.index_cast %mul3A_296 : i32 to index
    %swap3A_323 = tpu.vector_load %arg12[%swap3A_321, %swap3A_322] {strides = array<i32>} : memref<3x112xi32, #tpu.memory_space<vmem>>, vector<16xi32>,
    tpu.vector_store %arg12[%swap3A_321, %swap3A_322], %add3A_320 {strides = array<i32>} : memref<3x112xi32, #tpu.memory_space<vmem>>, vector<16xi32>,
    %scan3A_324 = arith.constant 6 : i32
    %mul3A_325 = arith.constant 16 : i32
    %mul3A_326 = arith.muli %scan3A_324, %mul3A_325 : i32
    %get3A_327 = arith.index_cast %rem3A_146 : i32 to index
    %get3A_328 = arith.index_cast %mul3A_326 : i32 to index
    %get3A_329 = tpu.vector_load %arg10[%get3A_327, %get3A_328] {strides = array<i32>} : memref<2x112xi32, #tpu.memory_space<vmem>>, vector<16xi32>,
    %shift_right_arithmetic3A_330 = arith.constant 2 : i32
    %shift_right_arithmetic3A_331 = vector.broadcast %shift_right_arithmetic3A_330 : i32 to vector<16xi32>
    %shift_right_arithmetic3A_332 = arith.shrsi %get3A_329, %shift_right_arithmetic3A_331 : vector<16xi32>
    %gather3A_333 = tpu.vector_load_idx %arg9[%shift_right_arithmetic3A_332] : memref<2500xi32, #tpu.memory_space<vmem>>[vector<16xi32>], vector<16xi32>,
    %and3A_334 = arith.constant 3 : i32
    %and3A_335 = vector.broadcast %and3A_334 : i32 to vector<16xi32>
    %and3A_336 = arith.andi %get3A_329, %and3A_335 : vector<16xi32>
    %shift_left3A_337 = arith.constant 3 : i32
    %shift_left3A_338 = vector.broadcast %shift_left3A_337 : i32 to vector<16xi32>
    %shift_left3A_339 = arith.shli %and3A_336, %shift_left3A_338 : vector<16xi32>
    %shift_right_arithmetic3A_340 = arith.shrsi %gather3A_333, %shift_left3A_339 : vector<16xi32>
    %and3A_341 = arith.constant 255 : i32
    %and3A_342 = vector.broadcast %and3A_341 : i32 to vector<16xi32>
    %and3A_343 = arith.andi %shift_right_arithmetic3A_340, %and3A_342 : vector<16xi32>
    %mul3A_344 = arith.constant 16 : i32
    %mul3A_345 = vector.broadcast %mul3A_344 : i32 to vector<16xi32>
    %mul3A_346 = arith.muli %and3A_343, %mul3A_345 : vector<16xi32>
    %get3A_347 = arith.index_cast %rem3A_149 : i32 to index
    %get3A_348 = arith.index_cast %mul3A_326 : i32 to index
    %get3A_349 = tpu.vector_load %arg12[%get3A_347, %get3A_348] {strides = array<i32>} : memref<3x112xi32, #tpu.memory_space<vmem>>, vector<16xi32>,
    %add3A_350 = arith.addi %mul3A_346, %get3A_349 : vector<16xi32>
    %swap3A_351 = arith.index_cast %rem3A_149 : i32 to index
    %swap3A_352 = arith.index_cast %mul3A_326 : i32 to index
    %swap3A_353 = tpu.vector_load %arg12[%swap3A_351, %swap3A_352] {strides = array<i32>} : memref<3x112xi32, #tpu.memory_space<vmem>>, vector<16xi32>,
    tpu.vector_store %arg12[%swap3A_351, %swap3A_352], %add3A_350 {strides = array<i32>} : memref<3x112xi32, #tpu.memory_space<vmem>>, vector<16xi32>,
    %scan3A_354 = arith.constant 7 : i32
    %rem3A_355 = arith.constant 0 : i32
    %rem3A_356 = arith.constant 3 : i32
    %rem3A_357 = arith.remsi %rem3A_355, %rem3A_356 : i32
    %rem3A_358 = arith.constant 0 : i32
    %rem3A_359 = arith.constant 3 : i32
    %rem3A_360 = arith.remsi %rem3A_358, %rem3A_359 : i32
    %dma_start3A_361 = arith.constant 0 : i32
    %dma_start3A_362 = arith.constant 0 : i32
    %dma_start3A_363 = tpu.memref_slice %arg13[%rem3A_360, %dma_start3A_361, %dma_start3A_362] : memref<3x112x128xf32, #tpu.memory_space<vmem>> -> memref<1x112x128xf32, #tpu.memory_space<vmem>>
    %dma_start3A_364 = tpu.memref_squeeze %dma_start3A_363 : memref<1x112x128xf32, #tpu.memory_space<vmem>> -> memref<112x128xf32, #tpu.memory_space<vmem>>
    %dma_start3A_365 = arith.constant 0 : i32
    %dma_start3A_366 = tpu.memref_slice %arg12[%rem3A_357, %dma_start3A_365] : memref<3x112xi32, #tpu.memory_space<vmem>> -> memref<1x112xi32, #tpu.memory_space<vmem>>
    %dma_start3A_367 = tpu.memref_squeeze %dma_start3A_366 : memref<1x112xi32, #tpu.memory_space<vmem>> -> memref<112xi32, #tpu.memory_space<vmem>>
    %dma_start3A_368 = arith.constant 0 : i32
    %dma_start3A_369 = arith.constant 0 : i32
    %dma_start3A_370 = tpu.memref_slice %arg6[%dma_start3A_368, %dma_start3A_369] : memref<2048x128xf32, #tpu.memory_space<hbm>> -> memref<2048x128xf32, #tpu.memory_space<hbm>>
    tpu.enqueue_indirect_dma source(%dma_start3A_370 : memref<2048x128xf32, #tpu.memory_space<hbm>>) target(%dma_start3A_364 : memref<112x128xf32, #tpu.memory_space<vmem>>) offsets(%dma_start3A_367 : memref<112xi32, #tpu.memory_space<vmem>>) semaphore(%arg16 : memref<!tpu.dma_semaphore, #tpu.memory_space<semaphore_mem>>)
    %scan3A_371 = arith.constant 0 : i32
    %scan3A_372 = arith.constant 0 : i32
    %scan3A_373 = arith.constant 179 : i32
    %scan3A_374 = arith.addi %scan3A_372, %scan3A_373 : i32
    %scan3A_375 = arith.constant 1 : i32
    scf.for %scan3A_446 = %scan3A_372 to %scan3A_374 step %scan3A_375  : i32 {
      %ge3A = arith.constant 1 : i32
      %ge3A_447 = arith.cmpi sge, %scan3A_446, %ge3A : i32
      %convert_element_type3A = arith.extui %ge3A_447 : i1 to i32
      %cond3A = arith.constant 0 : i32
      %cond3A_448 = arith.cmpi ne, %convert_element_type3A, %cond3A : i32
      scf.if %cond3A_448 {
        %sub3A = arith.constant 1 : i32
        %sub3A_474 = arith.subi %scan3A_446, %sub3A : i32
        %rem3A_475 = arith.constant 3 : i32
        %rem3A_476 = arith.remsi %sub3A_474, %rem3A_475 : i32
        %rem3A_477 = arith.constant 3 : i32
        %rem3A_478 = arith.remsi %sub3A_474, %rem3A_477 : i32
        %dma_wait3A_479 = arith.constant 0 : i32
        %dma_wait3A_480 = arith.constant 0 : i32
        %dma_wait3A_481 = tpu.memref_slice %arg13[%rem3A_478, %dma_wait3A_479, %dma_wait3A_480] : memref<3x112x128xf32, #tpu.memory_space<vmem>> -> memref<1x112x128xf32, #tpu.memory_space<vmem>>
        %dma_wait3A_482 = tpu.memref_squeeze %dma_wait3A_481 : memref<1x112x128xf32, #tpu.memory_space<vmem>> -> memref<112x128xf32, #tpu.memory_space<vmem>>
        %dma_wait3A_483 = arith.constant 0 : i32
        %dma_wait3A_484 = tpu.memref_slice %arg12[%rem3A_476, %dma_wait3A_483] : memref<3x112xi32, #tpu.memory_space<vmem>> -> memref<1x112xi32, #tpu.memory_space<vmem>>
        %dma_wait3A_485 = tpu.memref_squeeze %dma_wait3A_484 : memref<1x112xi32, #tpu.memory_space<vmem>> -> memref<112xi32, #tpu.memory_space<vmem>>
        %dma_wait3A_486 = arith.constant 0 : i32
        %dma_wait3A_487 = arith.constant 0 : i32
        %dma_wait3A_488 = tpu.memref_slice %arg6[%dma_wait3A_486, %dma_wait3A_487] : memref<2048x128xf32, #tpu.memory_space<hbm>> -> memref<2048x128xf32, #tpu.memory_space<hbm>>
        tpu.wait_indirect_dma semaphore(%arg16 : memref<!tpu.dma_semaphore, #tpu.memory_space<semaphore_mem>>) src(%dma_wait3A_488 : memref<2048x128xf32, #tpu.memory_space<hbm>>) dst(%dma_wait3A_482 : memref<112x128xf32, #tpu.memory_space<vmem>>)
        %sub3A_489 = arith.constant 1 : i32
        %sub3A_490 = arith.subi %scan3A_446, %sub3A_489 : i32
        %rem3A_491 = arith.constant 3 : i32
        %rem3A_492 = arith.remsi %sub3A_490, %rem3A_491 : i32
        %rem3A_493 = arith.constant 4 : i32
        %rem3A_494 = arith.remsi %sub3A_490, %rem3A_493 : i32
        %dma_start3A_495 = arith.constant 0 : i32
        %dma_start3A_496 = arith.constant 0 : i32
        %dma_start3A_497 = tpu.memref_slice %arg13[%rem3A_492, %dma_start3A_495, %dma_start3A_496] : memref<3x112x128xf32, #tpu.memory_space<vmem>> -> memref<1x112x128xf32, #tpu.memory_space<vmem>>
        %dma_start3A_498 = tpu.memref_squeeze %dma_start3A_497 : memref<1x112x128xf32, #tpu.memory_space<vmem>> -> memref<112x128xf32, #tpu.memory_space<vmem>>
        %dma_start3A_499 = arith.constant 0 : i32
        %dma_start3A_500 = tpu.memref_slice %arg11[%rem3A_494, %dma_start3A_499] : memref<4x112xi32, #tpu.memory_space<vmem>> -> memref<1x112xi32, #tpu.memory_space<vmem>>
        %dma_start3A_501 = tpu.memref_squeeze %dma_start3A_500 : memref<1x112xi32, #tpu.memory_space<vmem>> -> memref<112xi32, #tpu.memory_space<vmem>>
        %dma_start3A_502 = arith.constant 0 : i32
        %dma_start3A_503 = arith.constant 0 : i32
        %dma_start3A_504 = tpu.memref_slice %arg14[%dma_start3A_502, %dma_start3A_503] : memref<10112x128xf32, #tpu.memory_space<vmem_shared>> -> memref<10112x128xf32, #tpu.memory_space<vmem_shared>>
        tpu.enqueue_indirect_dma source(%dma_start3A_498 : memref<112x128xf32, #tpu.memory_space<vmem>>) target(%dma_start3A_504 : memref<10112x128xf32, #tpu.memory_space<vmem_shared>>) offsets(%dma_start3A_501 : memref<112xi32, #tpu.memory_space<vmem>>) semaphore(%arg17 : memref<!tpu.dma_semaphore, #tpu.memory_space<semaphore_mem>>) {add = true}
      } else {
      }
      %ge3A_449 = arith.constant 2 : i32
      %ge3A_450 = arith.cmpi sge, %scan3A_446, %ge3A_449 : i32
      %convert_element_type3A_451 = arith.extui %ge3A_450 : i1 to i32
      %cond3A_452 = arith.constant 0 : i32
      %cond3A_453 = arith.cmpi ne, %convert_element_type3A_451, %cond3A_452 : i32
      scf.if %cond3A_453 {
        %sub3A = arith.constant 2 : i32
        %sub3A_474 = arith.subi %scan3A_446, %sub3A : i32
        %rem3A_475 = arith.constant 3 : i32
        %rem3A_476 = arith.remsi %sub3A_474, %rem3A_475 : i32
        %rem3A_477 = arith.constant 4 : i32
        %rem3A_478 = arith.remsi %sub3A_474, %rem3A_477 : i32
        %dma_wait3A_479 = arith.constant 0 : i32
        %dma_wait3A_480 = arith.constant 0 : i32
        %dma_wait3A_481 = tpu.memref_slice %arg13[%rem3A_476, %dma_wait3A_479, %dma_wait3A_480] : memref<3x112x128xf32, #tpu.memory_space<vmem>> -> memref<1x112x128xf32, #tpu.memory_space<vmem>>
        %dma_wait3A_482 = tpu.memref_squeeze %dma_wait3A_481 : memref<1x112x128xf32, #tpu.memory_space<vmem>> -> memref<112x128xf32, #tpu.memory_space<vmem>>
        %dma_wait3A_483 = arith.constant 0 : i32
        %dma_wait3A_484 = tpu.memref_slice %arg11[%rem3A_478, %dma_wait3A_483] : memref<4x112xi32, #tpu.memory_space<vmem>> -> memref<1x112xi32, #tpu.memory_space<vmem>>
        %dma_wait3A_485 = tpu.memref_squeeze %dma_wait3A_484 : memref<1x112xi32, #tpu.memory_space<vmem>> -> memref<112xi32, #tpu.memory_space<vmem>>
        %dma_wait3A_486 = arith.constant 0 : i32
        %dma_wait3A_487 = arith.constant 0 : i32
        %dma_wait3A_488 = tpu.memref_slice %arg14[%dma_wait3A_486, %dma_wait3A_487] : memref<10112x128xf32, #tpu.memory_space<vmem_shared>> -> memref<10112x128xf32, #tpu.memory_space<vmem_shared>>
        tpu.wait_indirect_dma semaphore(%arg17 : memref<!tpu.dma_semaphore, #tpu.memory_space<semaphore_mem>>) src(%dma_wait3A_482 : memref<112x128xf32, #tpu.memory_space<vmem>>) dst(%dma_wait3A_488 : memref<10112x128xf32, #tpu.memory_space<vmem_shared>>)
      } else {
      }
      %add3A_454 = arith.constant 1 : i32
      %add3A_455 = arith.addi %scan3A_446, %add3A_454 : i32
      %lt3A = arith.constant 179 : i32
      %lt3A_456 = arith.cmpi slt, %add3A_455, %lt3A : i32
      %convert_element_type3A_457 = arith.extui %lt3A_456 : i1 to i32
      %cond3A_458 = arith.constant 0 : i32
      %cond3A_459 = arith.cmpi ne, %convert_element_type3A_457, %cond3A_458 : i32
      scf.if %cond3A_459 {
        %add3A_474 = arith.constant 1 : i32
        %add3A_475 = arith.addi %scan3A_446, %add3A_474 : i32
        %rem3A_476 = arith.constant 2 : i32
        %rem3A_477 = arith.remsi %add3A_475, %rem3A_476 : i32
        %dma_wait3A_478 = arith.constant 0 : i32
        %dma_wait3A_479 = tpu.memref_slice %arg10[%rem3A_477, %dma_wait3A_478] : memref<2x112xi32, #tpu.memory_space<vmem>> -> memref<1x112xi32, #tpu.memory_space<vmem>>
        %dma_wait3A_480 = tpu.memref_squeeze %dma_wait3A_479 : memref<1x112xi32, #tpu.memory_space<vmem>> -> memref<112xi32, #tpu.memory_space<vmem>>
        %dma_wait3A_481 = arith.constant 0 : i32
        %dma_wait3A_482 = tpu.memref_slice %arg2[%add3A, %add3A_475, %dma_wait3A_481] : memref<32x179x112xi32, #tpu.memory_space<hbm>> -> memref<1x1x112xi32, #tpu.memory_space<hbm>>
        %dma_wait3A_483 = tpu.memref_squeeze %dma_wait3A_482 : memref<1x1x112xi32, #tpu.memory_space<hbm>> -> memref<112xi32, #tpu.memory_space<hbm>>
        %dma_wait3A_484 = arith.constant 0 : i32
        %dma_wait3A_485 = tpu.memref_slice %arg10[%rem3A_477, %dma_wait3A_484] : memref<2x112xi32, #tpu.memory_space<vmem>> -> memref<1x112xi32, #tpu.memory_space<vmem>>
        %dma_wait3A_486 = tpu.memref_squeeze %dma_wait3A_485 : memref<1x112xi32, #tpu.memory_space<vmem>> -> memref<112xi32, #tpu.memory_space<vmem>>
        %dma_wait3A_487 = arith.constant 0 : i32
        %dma_wait3A_488 = tpu.memref_slice %arg2[%add3A, %add3A_475, %dma_wait3A_487] : memref<32x179x112xi32, #tpu.memory_space<hbm>> -> memref<1x1x112xi32, #tpu.memory_space<hbm>>
        %dma_wait3A_489 = tpu.memref_squeeze %dma_wait3A_488 : memref<1x1x112xi32, #tpu.memory_space<hbm>> -> memref<112xi32, #tpu.memory_space<hbm>>
        tpu.wait_dma2 semaphore(%arg15 : memref<!tpu.dma_semaphore, #tpu.memory_space<semaphore_mem>>) src(%dma_wait3A_489 : memref<112xi32, #tpu.memory_space<hbm>>) dst(%dma_wait3A_486 : memref<112xi32, #tpu.memory_space<vmem>>)
        %rem3A_490 = arith.constant 4 : i32
        %rem3A_491 = arith.remsi %add3A_475, %rem3A_490 : i32
        %dma_wait3A_492 = arith.constant 0 : i32
        %dma_wait3A_493 = tpu.memref_slice %arg11[%rem3A_491, %dma_wait3A_492] : memref<4x112xi32, #tpu.memory_space<vmem>> -> memref<1x112xi32, #tpu.memory_space<vmem>>
        %dma_wait3A_494 = tpu.memref_squeeze %dma_wait3A_493 : memref<1x112xi32, #tpu.memory_space<vmem>> -> memref<112xi32, #tpu.memory_space<vmem>>
        %dma_wait3A_495 = arith.constant 0 : i32
        %dma_wait3A_496 = tpu.memref_slice %arg3[%add3A, %add3A_475, %dma_wait3A_495] : memref<32x179x112xi32, #tpu.memory_space<hbm>> -> memref<1x1x112xi32, #tpu.memory_space<hbm>>
        %dma_wait3A_497 = tpu.memref_squeeze %dma_wait3A_496 : memref<1x1x112xi32, #tpu.memory_space<hbm>> -> memref<112xi32, #tpu.memory_space<hbm>>
        %dma_wait3A_498 = arith.constant 0 : i32
        %dma_wait3A_499 = tpu.memref_slice %arg11[%rem3A_491, %dma_wait3A_498] : memref<4x112xi32, #tpu.memory_space<vmem>> -> memref<1x112xi32, #tpu.memory_space<vmem>>
        %dma_wait3A_500 = tpu.memref_squeeze %dma_wait3A_499 : memref<1x112xi32, #tpu.memory_space<vmem>> -> memref<112xi32, #tpu.memory_space<vmem>>
        %dma_wait3A_501 = arith.constant 0 : i32
        %dma_wait3A_502 = tpu.memref_slice %arg3[%add3A, %add3A_475, %dma_wait3A_501] : memref<32x179x112xi32, #tpu.memory_space<hbm>> -> memref<1x1x112xi32, #tpu.memory_space<hbm>>
        %dma_wait3A_503 = tpu.memref_squeeze %dma_wait3A_502 : memref<1x1x112xi32, #tpu.memory_space<hbm>> -> memref<112xi32, #tpu.memory_space<hbm>>
        tpu.wait_dma2 semaphore(%arg15 : memref<!tpu.dma_semaphore, #tpu.memory_space<semaphore_mem>>) src(%dma_wait3A_503 : memref<112xi32, #tpu.memory_space<hbm>>) dst(%dma_wait3A_500 : memref<112xi32, #tpu.memory_space<vmem>>)
        %rem3A_504 = arith.constant 3 : i32
        %rem3A_505 = arith.remsi %add3A_475, %rem3A_504 : i32
        %dma_wait3A_506 = arith.constant 0 : i32
        %dma_wait3A_507 = tpu.memref_slice %arg12[%rem3A_505, %dma_wait3A_506] : memref<3x112xi32, #tpu.memory_space<vmem>> -> memref<1x112xi32, #tpu.memory_space<vmem>>
        %dma_wait3A_508 = tpu.memref_squeeze %dma_wait3A_507 : memref<1x112xi32, #tpu.memory_space<vmem>> -> memref<112xi32, #tpu.memory_space<vmem>>
        %dma_wait3A_509 = arith.constant 0 : i32
        %dma_wait3A_510 = tpu.memref_slice %arg4[%add3A, %add3A_475, %dma_wait3A_509] : memref<32x179x112xi32, #tpu.memory_space<hbm>> -> memref<1x1x112xi32, #tpu.memory_space<hbm>>
        %dma_wait3A_511 = tpu.memref_squeeze %dma_wait3A_510 : memref<1x1x112xi32, #tpu.memory_space<hbm>> -> memref<112xi32, #tpu.memory_space<hbm>>
        %dma_wait3A_512 = arith.constant 0 : i32
        %dma_wait3A_513 = tpu.memref_slice %arg12[%rem3A_505, %dma_wait3A_512] : memref<3x112xi32, #tpu.memory_space<vmem>> -> memref<1x112xi32, #tpu.memory_space<vmem>>
        %dma_wait3A_514 = tpu.memref_squeeze %dma_wait3A_513 : memref<1x112xi32, #tpu.memory_space<vmem>> -> memref<112xi32, #tpu.memory_space<vmem>>
        %dma_wait3A_515 = arith.constant 0 : i32
        %dma_wait3A_516 = tpu.memref_slice %arg4[%add3A, %add3A_475, %dma_wait3A_515] : memref<32x179x112xi32, #tpu.memory_space<hbm>> -> memref<1x1x112xi32, #tpu.memory_space<hbm>>
        %dma_wait3A_517 = tpu.memref_squeeze %dma_wait3A_516 : memref<1x1x112xi32, #tpu.memory_space<hbm>> -> memref<112xi32, #tpu.memory_space<hbm>>
        tpu.wait_dma2 semaphore(%arg15 : memref<!tpu.dma_semaphore, #tpu.memory_space<semaphore_mem>>) src(%dma_wait3A_517 : memref<112xi32, #tpu.memory_space<hbm>>) dst(%dma_wait3A_514 : memref<112xi32, #tpu.memory_space<vmem>>)
      } else {
      }
      %add3A_460 = arith.constant 2 : i32
      %add3A_461 = arith.addi %scan3A_446, %add3A_460 : i32
      %lt3A_462 = arith.constant 179 : i32
      %lt3A_463 = arith.cmpi slt, %add3A_461, %lt3A_462 : i32
      %convert_element_type3A_464 = arith.extui %lt3A_463 : i1 to i32
      %cond3A_465 = arith.constant 0 : i32
      %cond3A_466 = arith.cmpi ne, %convert_element_type3A_464, %cond3A_465 : i32
      scf.if %cond3A_466 {
        %add3A_474 = arith.constant 2 : i32
        %add3A_475 = arith.addi %scan3A_446, %add3A_474 : i32
        %rem3A_476 = arith.constant 2 : i32
        %rem3A_477 = arith.remsi %add3A_475, %rem3A_476 : i32
        %dma_start3A_478 = arith.constant 0 : i32
        %dma_start3A_479 = tpu.memref_slice %arg10[%rem3A_477, %dma_start3A_478] : memref<2x112xi32, #tpu.memory_space<vmem>> -> memref<1x112xi32, #tpu.memory_space<vmem>>
        %dma_start3A_480 = tpu.memref_squeeze %dma_start3A_479 : memref<1x112xi32, #tpu.memory_space<vmem>> -> memref<112xi32, #tpu.memory_space<vmem>>
        %dma_start3A_481 = arith.constant 0 : i32
        %dma_start3A_482 = tpu.memref_slice %arg2[%add3A, %add3A_475, %dma_start3A_481] : memref<32x179x112xi32, #tpu.memory_space<hbm>> -> memref<1x1x112xi32, #tpu.memory_space<hbm>>
        %dma_start3A_483 = tpu.memref_squeeze %dma_start3A_482 : memref<1x1x112xi32, #tpu.memory_space<hbm>> -> memref<112xi32, #tpu.memory_space<hbm>>
        %dma_start3A_484 = arith.constant 0 : i32
        %dma_start3A_485 = tpu.memref_slice %arg10[%rem3A_477, %dma_start3A_484] : memref<2x112xi32, #tpu.memory_space<vmem>> -> memref<1x112xi32, #tpu.memory_space<vmem>>
        %dma_start3A_486 = tpu.memref_squeeze %dma_start3A_485 : memref<1x112xi32, #tpu.memory_space<vmem>> -> memref<112xi32, #tpu.memory_space<vmem>>
        %dma_start3A_487 = arith.constant 0 : i32
        %dma_start3A_488 = tpu.memref_slice %arg2[%add3A, %add3A_475, %dma_start3A_487] : memref<32x179x112xi32, #tpu.memory_space<hbm>> -> memref<1x1x112xi32, #tpu.memory_space<hbm>>
        %dma_start3A_489 = tpu.memref_squeeze %dma_start3A_488 : memref<1x1x112xi32, #tpu.memory_space<hbm>> -> memref<112xi32, #tpu.memory_space<hbm>>
        tpu.enqueue_dma source(%dma_start3A_489 : memref<112xi32, #tpu.memory_space<hbm>>) target(%dma_start3A_486 : memref<112xi32, #tpu.memory_space<vmem>>) target_semaphore(%arg15 : memref<!tpu.dma_semaphore, #tpu.memory_space<semaphore_mem>>)
        %rem3A_490 = arith.constant 4 : i32
        %rem3A_491 = arith.remsi %add3A_475, %rem3A_490 : i32
        %dma_start3A_492 = arith.constant 0 : i32
        %dma_start3A_493 = tpu.memref_slice %arg11[%rem3A_491, %dma_start3A_492] : memref<4x112xi32, #tpu.memory_space<vmem>> -> memref<1x112xi32, #tpu.memory_space<vmem>>
        %dma_start3A_494 = tpu.memref_squeeze %dma_start3A_493 : memref<1x112xi32, #tpu.memory_space<vmem>> -> memref<112xi32, #tpu.memory_space<vmem>>
        %dma_start3A_495 = arith.constant 0 : i32
        %dma_start3A_496 = tpu.memref_slice %arg3[%add3A, %add3A_475, %dma_start3A_495] : memref<32x179x112xi32, #tpu.memory_space<hbm>> -> memref<1x1x112xi32, #tpu.memory_space<hbm>>
        %dma_start3A_497 = tpu.memref_squeeze %dma_start3A_496 : memref<1x1x112xi32, #tpu.memory_space<hbm>> -> memref<112xi32, #tpu.memory_space<hbm>>
        %dma_start3A_498 = arith.constant 0 : i32
        %dma_start3A_499 = tpu.memref_slice %arg11[%rem3A_491, %dma_start3A_498] : memref<4x112xi32, #tpu.memory_space<vmem>> -> memref<1x112xi32, #tpu.memory_space<vmem>>
        %dma_start3A_500 = tpu.memref_squeeze %dma_start3A_499 : memref<1x112xi32, #tpu.memory_space<vmem>> -> memref<112xi32, #tpu.memory_space<vmem>>
        %dma_start3A_501 = arith.constant 0 : i32
        %dma_start3A_502 = tpu.memref_slice %arg3[%add3A, %add3A_475, %dma_start3A_501] : memref<32x179x112xi32, #tpu.memory_space<hbm>> -> memref<1x1x112xi32, #tpu.memory_space<hbm>>
        %dma_start3A_503 = tpu.memref_squeeze %dma_start3A_502 : memref<1x1x112xi32, #tpu.memory_space<hbm>> -> memref<112xi32, #tpu.memory_space<hbm>>
        tpu.enqueue_dma source(%dma_start3A_503 : memref<112xi32, #tpu.memory_space<hbm>>) target(%dma_start3A_500 : memref<112xi32, #tpu.memory_space<vmem>>) target_semaphore(%arg15 : memref<!tpu.dma_semaphore, #tpu.memory_space<semaphore_mem>>)
        %rem3A_504 = arith.constant 3 : i32
        %rem3A_505 = arith.remsi %add3A_475, %rem3A_504 : i32
        %dma_start3A_506 = arith.constant 0 : i32
        %dma_start3A_507 = tpu.memref_slice %arg12[%rem3A_505, %dma_start3A_506] : memref<3x112xi32, #tpu.memory_space<vmem>> -> memref<1x112xi32, #tpu.memory_space<vmem>>
        %dma_start3A_508 = tpu.memref_squeeze %dma_start3A_507 : memref<1x112xi32, #tpu.memory_space<vmem>> -> memref<112xi32, #tpu.memory_space<vmem>>
        %dma_start3A_509 = arith.constant 0 : i32
        %dma_start3A_510 = tpu.memref_slice %arg4[%add3A, %add3A_475, %dma_start3A_509] : memref<32x179x112xi32, #tpu.memory_space<hbm>> -> memref<1x1x112xi32, #tpu.memory_space<hbm>>
        %dma_start3A_511 = tpu.memref_squeeze %dma_start3A_510 : memref<1x1x112xi32, #tpu.memory_space<hbm>> -> memref<112xi32, #tpu.memory_space<hbm>>
        %dma_start3A_512 = arith.constant 0 : i32
        %dma_start3A_513 = tpu.memref_slice %arg12[%rem3A_505, %dma_start3A_512] : memref<3x112xi32, #tpu.memory_space<vmem>> -> memref<1x112xi32, #tpu.memory_space<vmem>>
        %dma_start3A_514 = tpu.memref_squeeze %dma_start3A_513 : memref<1x112xi32, #tpu.memory_space<vmem>> -> memref<112xi32, #tpu.memory_space<vmem>>
        %dma_start3A_515 = arith.constant 0 : i32
        %dma_start3A_516 = tpu.memref_slice %arg4[%add3A, %add3A_475, %dma_start3A_515] : memref<32x179x112xi32, #tpu.memory_space<hbm>> -> memref<1x1x112xi32, #tpu.memory_space<hbm>>
        %dma_start3A_517 = tpu.memref_squeeze %dma_start3A_516 : memref<1x1x112xi32, #tpu.memory_space<hbm>> -> memref<112xi32, #tpu.memory_space<hbm>>
        tpu.enqueue_dma source(%dma_start3A_517 : memref<112xi32, #tpu.memory_space<hbm>>) target(%dma_start3A_514 : memref<112xi32, #tpu.memory_space<vmem>>) target_semaphore(%arg15 : memref<!tpu.dma_semaphore, #tpu.memory_space<semaphore_mem>>)
      } else {
      }
      %add3A_467 = arith.constant 1 : i32
      %add3A_468 = arith.addi %scan3A_446, %add3A_467 : i32
      %lt3A_469 = arith.constant 179 : i32
      %lt3A_470 = arith.cmpi slt, %add3A_468, %lt3A_469 : i32
      %convert_element_type3A_471 = arith.extui %lt3A_470 : i1 to i32
      %cond3A_472 = arith.constant 0 : i32
      %cond3A_473 = arith.cmpi ne, %convert_element_type3A_471, %cond3A_472 : i32
      scf.if %cond3A_473 {
        %add3A_474 = arith.constant 1 : i32
        %add3A_475 = arith.addi %scan3A_446, %add3A_474 : i32
        %rem3A_476 = arith.constant 2 : i32
        %rem3A_477 = arith.remsi %add3A_475, %rem3A_476 : i32
        %rem3A_478 = arith.constant 3 : i32
        %rem3A_479 = arith.remsi %add3A_475, %rem3A_478 : i32
        %scan3A_480 = arith.constant 0 : i32
        %scan3A_481 = arith.constant 0 : i32
        %mul3A_482 = arith.constant 16 : i32
        %mul3A_483 = arith.muli %scan3A_481, %mul3A_482 : i32
        %get3A_484 = arith.index_cast %rem3A_477 : i32 to index
        %get3A_485 = arith.index_cast %mul3A_483 : i32 to index
        %get3A_486 = tpu.vector_load %arg10[%get3A_484, %get3A_485] {strides = array<i32>} : memref<2x112xi32, #tpu.memory_space<vmem>>, vector<16xi32>,
        %shift_right_arithmetic3A_487 = arith.constant 2 : i32
        %shift_right_arithmetic3A_488 = vector.broadcast %shift_right_arithmetic3A_487 : i32 to vector<16xi32>
        %shift_right_arithmetic3A_489 = arith.shrsi %get3A_486, %shift_right_arithmetic3A_488 : vector<16xi32>
        %gather3A_490 = tpu.vector_load_idx %arg9[%shift_right_arithmetic3A_489] : memref<2500xi32, #tpu.memory_space<vmem>>[vector<16xi32>], vector<16xi32>,
        %and3A_491 = arith.constant 3 : i32
        %and3A_492 = vector.broadcast %and3A_491 : i32 to vector<16xi32>
        %and3A_493 = arith.andi %get3A_486, %and3A_492 : vector<16xi32>
        %shift_left3A_494 = arith.constant 3 : i32
        %shift_left3A_495 = vector.broadcast %shift_left3A_494 : i32 to vector<16xi32>
        %shift_left3A_496 = arith.shli %and3A_493, %shift_left3A_495 : vector<16xi32>
        %shift_right_arithmetic3A_497 = arith.shrsi %gather3A_490, %shift_left3A_496 : vector<16xi32>
        %and3A_498 = arith.constant 255 : i32
        %and3A_499 = vector.broadcast %and3A_498 : i32 to vector<16xi32>
        %and3A_500 = arith.andi %shift_right_arithmetic3A_497, %and3A_499 : vector<16xi32>
        %mul3A_501 = arith.constant 16 : i32
        %mul3A_502 = vector.broadcast %mul3A_501 : i32 to vector<16xi32>
        %mul3A_503 = arith.muli %and3A_500, %mul3A_502 : vector<16xi32>
        %get3A_504 = arith.index_cast %rem3A_479 : i32 to index
        %get3A_505 = arith.index_cast %mul3A_483 : i32 to index
        %get3A_506 = tpu.vector_load %arg12[%get3A_504, %get3A_505] {strides = array<i32>} : memref<3x112xi32, #tpu.memory_space<vmem>>, vector<16xi32>,
        %add3A_507 = arith.addi %mul3A_503, %get3A_506 : vector<16xi32>
        %swap3A_508 = arith.index_cast %rem3A_479 : i32 to index
        %swap3A_509 = arith.index_cast %mul3A_483 : i32 to index
        %swap3A_510 = tpu.vector_load %arg12[%swap3A_508, %swap3A_509] {strides = array<i32>} : memref<3x112xi32, #tpu.memory_space<vmem>>, vector<16xi32>,
        tpu.vector_store %arg12[%swap3A_508, %swap3A_509], %add3A_507 {strides = array<i32>} : memref<3x112xi32, #tpu.memory_space<vmem>>, vector<16xi32>,
        %scan3A_511 = arith.constant 1 : i32
        %mul3A_512 = arith.constant 16 : i32
        %mul3A_513 = arith.muli %scan3A_511, %mul3A_512 : i32
        %get3A_514 = arith.index_cast %rem3A_477 : i32 to index
        %get3A_515 = arith.index_cast %mul3A_513 : i32 to index
        %get3A_516 = tpu.vector_load %arg10[%get3A_514, %get3A_515] {strides = array<i32>} : memref<2x112xi32, #tpu.memory_space<vmem>>, vector<16xi32>,
        %shift_right_arithmetic3A_517 = arith.constant 2 : i32
        %shift_right_arithmetic3A_518 = vector.broadcast %shift_right_arithmetic3A_517 : i32 to vector<16xi32>
        %shift_right_arithmetic3A_519 = arith.shrsi %get3A_516, %shift_right_arithmetic3A_518 : vector<16xi32>
        %gather3A_520 = tpu.vector_load_idx %arg9[%shift_right_arithmetic3A_519] : memref<2500xi32, #tpu.memory_space<vmem>>[vector<16xi32>], vector<16xi32>,
        %and3A_521 = arith.constant 3 : i32
        %and3A_522 = vector.broadcast %and3A_521 : i32 to vector<16xi32>
        %and3A_523 = arith.andi %get3A_516, %and3A_522 : vector<16xi32>
        %shift_left3A_524 = arith.constant 3 : i32
        %shift_left3A_525 = vector.broadcast %shift_left3A_524 : i32 to vector<16xi32>
        %shift_left3A_526 = arith.shli %and3A_523, %shift_left3A_525 : vector<16xi32>
        %shift_right_arithmetic3A_527 = arith.shrsi %gather3A_520, %shift_left3A_526 : vector<16xi32>
        %and3A_528 = arith.constant 255 : i32
        %and3A_529 = vector.broadcast %and3A_528 : i32 to vector<16xi32>
        %and3A_530 = arith.andi %shift_right_arithmetic3A_527, %and3A_529 : vector<16xi32>
        %mul3A_531 = arith.constant 16 : i32
        %mul3A_532 = vector.broadcast %mul3A_531 : i32 to vector<16xi32>
        %mul3A_533 = arith.muli %and3A_530, %mul3A_532 : vector<16xi32>
        %get3A_534 = arith.index_cast %rem3A_479 : i32 to index
        %get3A_535 = arith.index_cast %mul3A_513 : i32 to index
        %get3A_536 = tpu.vector_load %arg12[%get3A_534, %get3A_535] {strides = array<i32>} : memref<3x112xi32, #tpu.memory_space<vmem>>, vector<16xi32>,
        %add3A_537 = arith.addi %mul3A_533, %get3A_536 : vector<16xi32>
        %swap3A_538 = arith.index_cast %rem3A_479 : i32 to index
        %swap3A_539 = arith.index_cast %mul3A_513 : i32 to index
        %swap3A_540 = tpu.vector_load %arg12[%swap3A_538, %swap3A_539] {strides = array<i32>} : memref<3x112xi32, #tpu.memory_space<vmem>>, vector<16xi32>,
        tpu.vector_store %arg12[%swap3A_538, %swap3A_539], %add3A_537 {strides = array<i32>} : memref<3x112xi32, #tpu.memory_space<vmem>>, vector<16xi32>,
        %scan3A_541 = arith.constant 2 : i32
        %mul3A_542 = arith.constant 16 : i32
        %mul3A_543 = arith.muli %scan3A_541, %mul3A_542 : i32
        %get3A_544 = arith.index_cast %rem3A_477 : i32 to index
        %get3A_545 = arith.index_cast %mul3A_543 : i32 to index
        %get3A_546 = tpu.vector_load %arg10[%get3A_544, %get3A_545] {strides = array<i32>} : memref<2x112xi32, #tpu.memory_space<vmem>>, vector<16xi32>,
        %shift_right_arithmetic3A_547 = arith.constant 2 : i32
        %shift_right_arithmetic3A_548 = vector.broadcast %shift_right_arithmetic3A_547 : i32 to vector<16xi32>
        %shift_right_arithmetic3A_549 = arith.shrsi %get3A_546, %shift_right_arithmetic3A_548 : vector<16xi32>
        %gather3A_550 = tpu.vector_load_idx %arg9[%shift_right_arithmetic3A_549] : memref<2500xi32, #tpu.memory_space<vmem>>[vector<16xi32>], vector<16xi32>,
        %and3A_551 = arith.constant 3 : i32
        %and3A_552 = vector.broadcast %and3A_551 : i32 to vector<16xi32>
        %and3A_553 = arith.andi %get3A_546, %and3A_552 : vector<16xi32>
        %shift_left3A_554 = arith.constant 3 : i32
        %shift_left3A_555 = vector.broadcast %shift_left3A_554 : i32 to vector<16xi32>
        %shift_left3A_556 = arith.shli %and3A_553, %shift_left3A_555 : vector<16xi32>
        %shift_right_arithmetic3A_557 = arith.shrsi %gather3A_550, %shift_left3A_556 : vector<16xi32>
        %and3A_558 = arith.constant 255 : i32
        %and3A_559 = vector.broadcast %and3A_558 : i32 to vector<16xi32>
        %and3A_560 = arith.andi %shift_right_arithmetic3A_557, %and3A_559 : vector<16xi32>
        %mul3A_561 = arith.constant 16 : i32
        %mul3A_562 = vector.broadcast %mul3A_561 : i32 to vector<16xi32>
        %mul3A_563 = arith.muli %and3A_560, %mul3A_562 : vector<16xi32>
        %get3A_564 = arith.index_cast %rem3A_479 : i32 to index
        %get3A_565 = arith.index_cast %mul3A_543 : i32 to index
        %get3A_566 = tpu.vector_load %arg12[%get3A_564, %get3A_565] {strides = array<i32>} : memref<3x112xi32, #tpu.memory_space<vmem>>, vector<16xi32>,
        %add3A_567 = arith.addi %mul3A_563, %get3A_566 : vector<16xi32>
        %swap3A_568 = arith.index_cast %rem3A_479 : i32 to index
        %swap3A_569 = arith.index_cast %mul3A_543 : i32 to index
        %swap3A_570 = tpu.vector_load %arg12[%swap3A_568, %swap3A_569] {strides = array<i32>} : memref<3x112xi32, #tpu.memory_space<vmem>>, vector<16xi32>,
        tpu.vector_store %arg12[%swap3A_568, %swap3A_569], %add3A_567 {strides = array<i32>} : memref<3x112xi32, #tpu.memory_space<vmem>>, vector<16xi32>,
        %scan3A_571 = arith.constant 3 : i32
        %mul3A_572 = arith.constant 16 : i32
        %mul3A_573 = arith.muli %scan3A_571, %mul3A_572 : i32
        %get3A_574 = arith.index_cast %rem3A_477 : i32 to index
        %get3A_575 = arith.index_cast %mul3A_573 : i32 to index
        %get3A_576 = tpu.vector_load %arg10[%get3A_574, %get3A_575] {strides = array<i32>} : memref<2x112xi32, #tpu.memory_space<vmem>>, vector<16xi32>,
        %shift_right_arithmetic3A_577 = arith.constant 2 : i32
        %shift_right_arithmetic3A_578 = vector.broadcast %shift_right_arithmetic3A_577 : i32 to vector<16xi32>
        %shift_right_arithmetic3A_579 = arith.shrsi %get3A_576, %shift_right_arithmetic3A_578 : vector<16xi32>
        %gather3A_580 = tpu.vector_load_idx %arg9[%shift_right_arithmetic3A_579] : memref<2500xi32, #tpu.memory_space<vmem>>[vector<16xi32>], vector<16xi32>,
        %and3A_581 = arith.constant 3 : i32
        %and3A_582 = vector.broadcast %and3A_581 : i32 to vector<16xi32>
        %and3A_583 = arith.andi %get3A_576, %and3A_582 : vector<16xi32>
        %shift_left3A_584 = arith.constant 3 : i32
        %shift_left3A_585 = vector.broadcast %shift_left3A_584 : i32 to vector<16xi32>
        %shift_left3A_586 = arith.shli %and3A_583, %shift_left3A_585 : vector<16xi32>
        %shift_right_arithmetic3A_587 = arith.shrsi %gather3A_580, %shift_left3A_586 : vector<16xi32>
        %and3A_588 = arith.constant 255 : i32
        %and3A_589 = vector.broadcast %and3A_588 : i32 to vector<16xi32>
        %and3A_590 = arith.andi %shift_right_arithmetic3A_587, %and3A_589 : vector<16xi32>
        %mul3A_591 = arith.constant 16 : i32
        %mul3A_592 = vector.broadcast %mul3A_591 : i32 to vector<16xi32>
        %mul3A_593 = arith.muli %and3A_590, %mul3A_592 : vector<16xi32>
        %get3A_594 = arith.index_cast %rem3A_479 : i32 to index
        %get3A_595 = arith.index_cast %mul3A_573 : i32 to index
        %get3A_596 = tpu.vector_load %arg12[%get3A_594, %get3A_595] {strides = array<i32>} : memref<3x112xi32, #tpu.memory_space<vmem>>, vector<16xi32>,
        %add3A_597 = arith.addi %mul3A_593, %get3A_596 : vector<16xi32>
        %swap3A_598 = arith.index_cast %rem3A_479 : i32 to index
        %swap3A_599 = arith.index_cast %mul3A_573 : i32 to index
        %swap3A_600 = tpu.vector_load %arg12[%swap3A_598, %swap3A_599] {strides = array<i32>} : memref<3x112xi32, #tpu.memory_space<vmem>>, vector<16xi32>,
        tpu.vector_store %arg12[%swap3A_598, %swap3A_599], %add3A_597 {strides = array<i32>} : memref<3x112xi32, #tpu.memory_space<vmem>>, vector<16xi32>,
        %scan3A_601 = arith.constant 4 : i32
        %mul3A_602 = arith.constant 16 : i32
        %mul3A_603 = arith.muli %scan3A_601, %mul3A_602 : i32
        %get3A_604 = arith.index_cast %rem3A_477 : i32 to index
        %get3A_605 = arith.index_cast %mul3A_603 : i32 to index
        %get3A_606 = tpu.vector_load %arg10[%get3A_604, %get3A_605] {strides = array<i32>} : memref<2x112xi32, #tpu.memory_space<vmem>>, vector<16xi32>,
        %shift_right_arithmetic3A_607 = arith.constant 2 : i32
        %shift_right_arithmetic3A_608 = vector.broadcast %shift_right_arithmetic3A_607 : i32 to vector<16xi32>
        %shift_right_arithmetic3A_609 = arith.shrsi %get3A_606, %shift_right_arithmetic3A_608 : vector<16xi32>
        %gather3A_610 = tpu.vector_load_idx %arg9[%shift_right_arithmetic3A_609] : memref<2500xi32, #tpu.memory_space<vmem>>[vector<16xi32>], vector<16xi32>,
        %and3A_611 = arith.constant 3 : i32
        %and3A_612 = vector.broadcast %and3A_611 : i32 to vector<16xi32>
        %and3A_613 = arith.andi %get3A_606, %and3A_612 : vector<16xi32>
        %shift_left3A_614 = arith.constant 3 : i32
        %shift_left3A_615 = vector.broadcast %shift_left3A_614 : i32 to vector<16xi32>
        %shift_left3A_616 = arith.shli %and3A_613, %shift_left3A_615 : vector<16xi32>
        %shift_right_arithmetic3A_617 = arith.shrsi %gather3A_610, %shift_left3A_616 : vector<16xi32>
        %and3A_618 = arith.constant 255 : i32
        %and3A_619 = vector.broadcast %and3A_618 : i32 to vector<16xi32>
        %and3A_620 = arith.andi %shift_right_arithmetic3A_617, %and3A_619 : vector<16xi32>
        %mul3A_621 = arith.constant 16 : i32
        %mul3A_622 = vector.broadcast %mul3A_621 : i32 to vector<16xi32>
        %mul3A_623 = arith.muli %and3A_620, %mul3A_622 : vector<16xi32>
        %get3A_624 = arith.index_cast %rem3A_479 : i32 to index
        %get3A_625 = arith.index_cast %mul3A_603 : i32 to index
        %get3A_626 = tpu.vector_load %arg12[%get3A_624, %get3A_625] {strides = array<i32>} : memref<3x112xi32, #tpu.memory_space<vmem>>, vector<16xi32>,
        %add3A_627 = arith.addi %mul3A_623, %get3A_626 : vector<16xi32>
        %swap3A_628 = arith.index_cast %rem3A_479 : i32 to index
        %swap3A_629 = arith.index_cast %mul3A_603 : i32 to index
        %swap3A_630 = tpu.vector_load %arg12[%swap3A_628, %swap3A_629] {strides = array<i32>} : memref<3x112xi32, #tpu.memory_space<vmem>>, vector<16xi32>,
        tpu.vector_store %arg12[%swap3A_628, %swap3A_629], %add3A_627 {strides = array<i32>} : memref<3x112xi32, #tpu.memory_space<vmem>>, vector<16xi32>,
        %scan3A_631 = arith.constant 5 : i32
        %mul3A_632 = arith.constant 16 : i32
        %mul3A_633 = arith.muli %scan3A_631, %mul3A_632 : i32
        %get3A_634 = arith.index_cast %rem3A_477 : i32 to index
        %get3A_635 = arith.index_cast %mul3A_633 : i32 to index
        %get3A_636 = tpu.vector_load %arg10[%get3A_634, %get3A_635] {strides = array<i32>} : memref<2x112xi32, #tpu.memory_space<vmem>>, vector<16xi32>,
        %shift_right_arithmetic3A_637 = arith.constant 2 : i32
        %shift_right_arithmetic3A_638 = vector.broadcast %shift_right_arithmetic3A_637 : i32 to vector<16xi32>
        %shift_right_arithmetic3A_639 = arith.shrsi %get3A_636, %shift_right_arithmetic3A_638 : vector<16xi32>
        %gather3A_640 = tpu.vector_load_idx %arg9[%shift_right_arithmetic3A_639] : memref<2500xi32, #tpu.memory_space<vmem>>[vector<16xi32>], vector<16xi32>,
        %and3A_641 = arith.constant 3 : i32
        %and3A_642 = vector.broadcast %and3A_641 : i32 to vector<16xi32>
        %and3A_643 = arith.andi %get3A_636, %and3A_642 : vector<16xi32>
        %shift_left3A_644 = arith.constant 3 : i32
        %shift_left3A_645 = vector.broadcast %shift_left3A_644 : i32 to vector<16xi32>
        %shift_left3A_646 = arith.shli %and3A_643, %shift_left3A_645 : vector<16xi32>
        %shift_right_arithmetic3A_647 = arith.shrsi %gather3A_640, %shift_left3A_646 : vector<16xi32>
        %and3A_648 = arith.constant 255 : i32
        %and3A_649 = vector.broadcast %and3A_648 : i32 to vector<16xi32>
        %and3A_650 = arith.andi %shift_right_arithmetic3A_647, %and3A_649 : vector<16xi32>
        %mul3A_651 = arith.constant 16 : i32
        %mul3A_652 = vector.broadcast %mul3A_651 : i32 to vector<16xi32>
        %mul3A_653 = arith.muli %and3A_650, %mul3A_652 : vector<16xi32>
        %get3A_654 = arith.index_cast %rem3A_479 : i32 to index
        %get3A_655 = arith.index_cast %mul3A_633 : i32 to index
        %get3A_656 = tpu.vector_load %arg12[%get3A_654, %get3A_655] {strides = array<i32>} : memref<3x112xi32, #tpu.memory_space<vmem>>, vector<16xi32>,
        %add3A_657 = arith.addi %mul3A_653, %get3A_656 : vector<16xi32>
        %swap3A_658 = arith.index_cast %rem3A_479 : i32 to index
        %swap3A_659 = arith.index_cast %mul3A_633 : i32 to index
        %swap3A_660 = tpu.vector_load %arg12[%swap3A_658, %swap3A_659] {strides = array<i32>} : memref<3x112xi32, #tpu.memory_space<vmem>>, vector<16xi32>,
        tpu.vector_store %arg12[%swap3A_658, %swap3A_659], %add3A_657 {strides = array<i32>} : memref<3x112xi32, #tpu.memory_space<vmem>>, vector<16xi32>,
        %scan3A_661 = arith.constant 6 : i32
        %mul3A_662 = arith.constant 16 : i32
        %mul3A_663 = arith.muli %scan3A_661, %mul3A_662 : i32
        %get3A_664 = arith.index_cast %rem3A_477 : i32 to index
        %get3A_665 = arith.index_cast %mul3A_663 : i32 to index
        %get3A_666 = tpu.vector_load %arg10[%get3A_664, %get3A_665] {strides = array<i32>} : memref<2x112xi32, #tpu.memory_space<vmem>>, vector<16xi32>,
        %shift_right_arithmetic3A_667 = arith.constant 2 : i32
        %shift_right_arithmetic3A_668 = vector.broadcast %shift_right_arithmetic3A_667 : i32 to vector<16xi32>
        %shift_right_arithmetic3A_669 = arith.shrsi %get3A_666, %shift_right_arithmetic3A_668 : vector<16xi32>
        %gather3A_670 = tpu.vector_load_idx %arg9[%shift_right_arithmetic3A_669] : memref<2500xi32, #tpu.memory_space<vmem>>[vector<16xi32>], vector<16xi32>,
        %and3A_671 = arith.constant 3 : i32
        %and3A_672 = vector.broadcast %and3A_671 : i32 to vector<16xi32>
        %and3A_673 = arith.andi %get3A_666, %and3A_672 : vector<16xi32>
        %shift_left3A_674 = arith.constant 3 : i32
        %shift_left3A_675 = vector.broadcast %shift_left3A_674 : i32 to vector<16xi32>
        %shift_left3A_676 = arith.shli %and3A_673, %shift_left3A_675 : vector<16xi32>
        %shift_right_arithmetic3A_677 = arith.shrsi %gather3A_670, %shift_left3A_676 : vector<16xi32>
        %and3A_678 = arith.constant 255 : i32
        %and3A_679 = vector.broadcast %and3A_678 : i32 to vector<16xi32>
        %and3A_680 = arith.andi %shift_right_arithmetic3A_677, %and3A_679 : vector<16xi32>
        %mul3A_681 = arith.constant 16 : i32
        %mul3A_682 = vector.broadcast %mul3A_681 : i32 to vector<16xi32>
        %mul3A_683 = arith.muli %and3A_680, %mul3A_682 : vector<16xi32>
        %get3A_684 = arith.index_cast %rem3A_479 : i32 to index
        %get3A_685 = arith.index_cast %mul3A_663 : i32 to index
        %get3A_686 = tpu.vector_load %arg12[%get3A_684, %get3A_685] {strides = array<i32>} : memref<3x112xi32, #tpu.memory_space<vmem>>, vector<16xi32>,
        %add3A_687 = arith.addi %mul3A_683, %get3A_686 : vector<16xi32>
        %swap3A_688 = arith.index_cast %rem3A_479 : i32 to index
        %swap3A_689 = arith.index_cast %mul3A_663 : i32 to index
        %swap3A_690 = tpu.vector_load %arg12[%swap3A_688, %swap3A_689] {strides = array<i32>} : memref<3x112xi32, #tpu.memory_space<vmem>>, vector<16xi32>,
        tpu.vector_store %arg12[%swap3A_688, %swap3A_689], %add3A_687 {strides = array<i32>} : memref<3x112xi32, #tpu.memory_space<vmem>>, vector<16xi32>,
        %scan3A_691 = arith.constant 7 : i32
        %add3A_692 = arith.constant 1 : i32
        %add3A_693 = arith.addi %scan3A_446, %add3A_692 : i32
        %rem3A_694 = arith.constant 3 : i32
        %rem3A_695 = arith.remsi %add3A_693, %rem3A_694 : i32
        %rem3A_696 = arith.constant 3 : i32
        %rem3A_697 = arith.remsi %add3A_693, %rem3A_696 : i32
        %dma_start3A_698 = arith.constant 0 : i32
        %dma_start3A_699 = arith.constant 0 : i32
        %dma_start3A_700 = tpu.memref_slice %arg13[%rem3A_697, %dma_start3A_698, %dma_start3A_699] : memref<3x112x128xf32, #tpu.memory_space<vmem>> -> memref<1x112x128xf32, #tpu.memory_space<vmem>>
        %dma_start3A_701 = tpu.memref_squeeze %dma_start3A_700 : memref<1x112x128xf32, #tpu.memory_space<vmem>> -> memref<112x128xf32, #tpu.memory_space<vmem>>
        %dma_start3A_702 = arith.constant 0 : i32
        %dma_start3A_703 = tpu.memref_slice %arg12[%rem3A_695, %dma_start3A_702] : memref<3x112xi32, #tpu.memory_space<vmem>> -> memref<1x112xi32, #tpu.memory_space<vmem>>
        %dma_start3A_704 = tpu.memref_squeeze %dma_start3A_703 : memref<1x112xi32, #tpu.memory_space<vmem>> -> memref<112xi32, #tpu.memory_space<vmem>>
        %dma_start3A_705 = arith.constant 0 : i32
        %dma_start3A_706 = arith.constant 0 : i32
        %dma_start3A_707 = tpu.memref_slice %arg6[%dma_start3A_705, %dma_start3A_706] : memref<2048x128xf32, #tpu.memory_space<hbm>> -> memref<2048x128xf32, #tpu.memory_space<hbm>>
        tpu.enqueue_indirect_dma source(%dma_start3A_707 : memref<2048x128xf32, #tpu.memory_space<hbm>>) target(%dma_start3A_701 : memref<112x128xf32, #tpu.memory_space<vmem>>) offsets(%dma_start3A_704 : memref<112xi32, #tpu.memory_space<vmem>>) semaphore(%arg16 : memref<!tpu.dma_semaphore, #tpu.memory_space<semaphore_mem>>)
      } else {
      }
    }
    %scan3A_376 = arith.constant 179 : i32
    %rem3A_377 = arith.constant 178 : i32
    %rem3A_378 = arith.constant 3 : i32
    %rem3A_379 = arith.remsi %rem3A_377, %rem3A_378 : i32
    %rem3A_380 = arith.constant 178 : i32
    %rem3A_381 = arith.constant 3 : i32
    %rem3A_382 = arith.remsi %rem3A_380, %rem3A_381 : i32
    %dma_wait3A_383 = arith.constant 0 : i32
    %dma_wait3A_384 = arith.constant 0 : i32
    %dma_wait3A_385 = tpu.memref_slice %arg13[%rem3A_382, %dma_wait3A_383, %dma_wait3A_384] : memref<3x112x128xf32, #tpu.memory_space<vmem>> -> memref<1x112x128xf32, #tpu.memory_space<vmem>>
    %dma_wait3A_386 = tpu.memref_squeeze %dma_wait3A_385 : memref<1x112x128xf32, #tpu.memory_space<vmem>> -> memref<112x128xf32, #tpu.memory_space<vmem>>
    %dma_wait3A_387 = arith.constant 0 : i32
    %dma_wait3A_388 = tpu.memref_slice %arg12[%rem3A_379, %dma_wait3A_387] : memref<3x112xi32, #tpu.memory_space<vmem>> -> memref<1x112xi32, #tpu.memory_space<vmem>>
    %dma_wait3A_389 = tpu.memref_squeeze %dma_wait3A_388 : memref<1x112xi32, #tpu.memory_space<vmem>> -> memref<112xi32, #tpu.memory_space<vmem>>
    %dma_wait3A_390 = arith.constant 0 : i32
    %dma_wait3A_391 = arith.constant 0 : i32
    %dma_wait3A_392 = tpu.memref_slice %arg6[%dma_wait3A_390, %dma_wait3A_391] : memref<2048x128xf32, #tpu.memory_space<hbm>> -> memref<2048x128xf32, #tpu.memory_space<hbm>>
    tpu.wait_indirect_dma semaphore(%arg16 : memref<!tpu.dma_semaphore, #tpu.memory_space<semaphore_mem>>) src(%dma_wait3A_392 : memref<2048x128xf32, #tpu.memory_space<hbm>>) dst(%dma_wait3A_386 : memref<112x128xf32, #tpu.memory_space<vmem>>)
    %rem3A_393 = arith.constant 178 : i32
    %rem3A_394 = arith.constant 3 : i32
    %rem3A_395 = arith.remsi %rem3A_393, %rem3A_394 : i32
    %rem3A_396 = arith.constant 178 : i32
    %rem3A_397 = arith.constant 4 : i32
    %rem3A_398 = arith.remsi %rem3A_396, %rem3A_397 : i32
    %dma_start3A_399 = arith.constant 0 : i32
    %dma_start3A_400 = arith.constant 0 : i32
    %dma_start3A_401 = tpu.memref_slice %arg13[%rem3A_395, %dma_start3A_399, %dma_start3A_400] : memref<3x112x128xf32, #tpu.memory_space<vmem>> -> memref<1x112x128xf32, #tpu.memory_space<vmem>>
    %dma_start3A_402 = tpu.memref_squeeze %dma_start3A_401 : memref<1x112x128xf32, #tpu.memory_space<vmem>> -> memref<112x128xf32, #tpu.memory_space<vmem>>
    %dma_start3A_403 = arith.constant 0 : i32
    %dma_start3A_404 = tpu.memref_slice %arg11[%rem3A_398, %dma_start3A_403] : memref<4x112xi32, #tpu.memory_space<vmem>> -> memref<1x112xi32, #tpu.memory_space<vmem>>
    %dma_start3A_405 = tpu.memref_squeeze %dma_start3A_404 : memref<1x112xi32, #tpu.memory_space<vmem>> -> memref<112xi32, #tpu.memory_space<vmem>>
    %dma_start3A_406 = arith.constant 0 : i32
    %dma_start3A_407 = arith.constant 0 : i32
    %dma_start3A_408 = tpu.memref_slice %arg14[%dma_start3A_406, %dma_start3A_407] : memref<10112x128xf32, #tpu.memory_space<vmem_shared>> -> memref<10112x128xf32, #tpu.memory_space<vmem_shared>>
    tpu.enqueue_indirect_dma source(%dma_start3A_402 : memref<112x128xf32, #tpu.memory_space<vmem>>) target(%dma_start3A_408 : memref<10112x128xf32, #tpu.memory_space<vmem_shared>>) offsets(%dma_start3A_405 : memref<112xi32, #tpu.memory_space<vmem>>) semaphore(%arg17 : memref<!tpu.dma_semaphore, #tpu.memory_space<semaphore_mem>>) {add = true}
    %rem3A_409 = arith.constant 177 : i32
    %rem3A_410 = arith.constant 3 : i32
    %rem3A_411 = arith.remsi %rem3A_409, %rem3A_410 : i32
    %rem3A_412 = arith.constant 177 : i32
    %rem3A_413 = arith.constant 4 : i32
    %rem3A_414 = arith.remsi %rem3A_412, %rem3A_413 : i32
    %dma_wait3A_415 = arith.constant 0 : i32
    %dma_wait3A_416 = arith.constant 0 : i32
    %dma_wait3A_417 = tpu.memref_slice %arg13[%rem3A_411, %dma_wait3A_415, %dma_wait3A_416] : memref<3x112x128xf32, #tpu.memory_space<vmem>> -> memref<1x112x128xf32, #tpu.memory_space<vmem>>
    %dma_wait3A_418 = tpu.memref_squeeze %dma_wait3A_417 : memref<1x112x128xf32, #tpu.memory_space<vmem>> -> memref<112x128xf32, #tpu.memory_space<vmem>>
    %dma_wait3A_419 = arith.constant 0 : i32
    %dma_wait3A_420 = tpu.memref_slice %arg11[%rem3A_414, %dma_wait3A_419] : memref<4x112xi32, #tpu.memory_space<vmem>> -> memref<1x112xi32, #tpu.memory_space<vmem>>
    %dma_wait3A_421 = tpu.memref_squeeze %dma_wait3A_420 : memref<1x112xi32, #tpu.memory_space<vmem>> -> memref<112xi32, #tpu.memory_space<vmem>>
    %dma_wait3A_422 = arith.constant 0 : i32
    %dma_wait3A_423 = arith.constant 0 : i32
    %dma_wait3A_424 = tpu.memref_slice %arg14[%dma_wait3A_422, %dma_wait3A_423] : memref<10112x128xf32, #tpu.memory_space<vmem_shared>> -> memref<10112x128xf32, #tpu.memory_space<vmem_shared>>
    tpu.wait_indirect_dma semaphore(%arg17 : memref<!tpu.dma_semaphore, #tpu.memory_space<semaphore_mem>>) src(%dma_wait3A_418 : memref<112x128xf32, #tpu.memory_space<vmem>>) dst(%dma_wait3A_424 : memref<10112x128xf32, #tpu.memory_space<vmem_shared>>)
    %rem3A_425 = arith.constant 178 : i32
    %rem3A_426 = arith.constant 3 : i32
    %rem3A_427 = arith.remsi %rem3A_425, %rem3A_426 : i32
    %rem3A_428 = arith.constant 178 : i32
    %rem3A_429 = arith.constant 4 : i32
    %rem3A_430 = arith.remsi %rem3A_428, %rem3A_429 : i32
    %dma_wait3A_431 = arith.constant 0 : i32
    %dma_wait3A_432 = arith.constant 0 : i32
    %dma_wait3A_433 = tpu.memref_slice %arg13[%rem3A_427, %dma_wait3A_431, %dma_wait3A_432] : memref<3x112x128xf32, #tpu.memory_space<vmem>> -> memref<1x112x128xf32, #tpu.memory_space<vmem>>
    %dma_wait3A_434 = tpu.memref_squeeze %dma_wait3A_433 : memref<1x112x128xf32, #tpu.memory_space<vmem>> -> memref<112x128xf32, #tpu.memory_space<vmem>>
    %dma_wait3A_435 = arith.constant 0 : i32
    %dma_wait3A_436 = tpu.memref_slice %arg11[%rem3A_430, %dma_wait3A_435] : memref<4x112xi32, #tpu.memory_space<vmem>> -> memref<1x112xi32, #tpu.memory_space<vmem>>
    %dma_wait3A_437 = tpu.memref_squeeze %dma_wait3A_436 : memref<1x112xi32, #tpu.memory_space<vmem>> -> memref<112xi32, #tpu.memory_space<vmem>>
    %dma_wait3A_438 = arith.constant 0 : i32
    %dma_wait3A_439 = arith.constant 0 : i32
    %dma_wait3A_440 = tpu.memref_slice %arg14[%dma_wait3A_438, %dma_wait3A_439] : memref<10112x128xf32, #tpu.memory_space<vmem_shared>> -> memref<10112x128xf32, #tpu.memory_space<vmem_shared>>
    tpu.wait_indirect_dma semaphore(%arg17 : memref<!tpu.dma_semaphore, #tpu.memory_space<semaphore_mem>>) src(%dma_wait3A_434 : memref<112x128xf32, #tpu.memory_space<vmem>>) dst(%dma_wait3A_440 : memref<10112x128xf32, #tpu.memory_space<vmem_shared>>)
    %barrier3A_441 = arith.constant 0 : index
    tpu.barrier barrier_id(%barrier3A_441)
    %mul3A_442 = arith.constant 632 : i32
    %mul3A_443 = arith.muli %arg1, %mul3A_442 : i32
    %mul3A_444 = arith.constant 632 : i32
    %mul3A_445 = arith.muli %arg1, %mul3A_444 : i32
    "tpu.region"() ({
      %run_scoped3A = tpu.sem_alloc : memref<!tpu.dma_semaphore, #tpu.memory_space<semaphore_mem>>
      %dma_start3A_446 = arith.constant 0 : i32
      %dma_start3A_447 = tpu.memref_slice %arg8[%arg0, %mul3A_445, %dma_start3A_446] : memref<2x10112x128xf32, #tpu.memory_space<hbm>> -> memref<1x632x128xf32, #tpu.memory_space<hbm>>
      %dma_start3A_448 = tpu.memref_squeeze %dma_start3A_447 : memref<1x632x128xf32, #tpu.memory_space<hbm>> -> memref<632x128xf32, #tpu.memory_space<hbm>>
      %dma_start3A_449 = arith.constant 0 : i32
      %dma_start3A_450 = tpu.memref_slice %arg14[%mul3A_443, %dma_start3A_449] : memref<10112x128xf32, #tpu.memory_space<vmem_shared>> -> memref<632x128xf32, #tpu.memory_space<vmem_shared>>
      tpu.enqueue_dma source(%dma_start3A_450 : memref<632x128xf32, #tpu.memory_space<vmem_shared>>) target(%dma_start3A_448 : memref<632x128xf32, #tpu.memory_space<hbm>>) target_semaphore(%run_scoped3A : memref<!tpu.dma_semaphore, #tpu.memory_space<semaphore_mem>>)
      %dma_wait3A_451 = arith.constant 0 : i32
      %dma_wait3A_452 = tpu.memref_slice %arg8[%arg0, %mul3A_445, %dma_wait3A_451] : memref<2x10112x128xf32, #tpu.memory_space<hbm>> -> memref<1x632x128xf32, #tpu.memory_space<hbm>>
      %dma_wait3A_453 = tpu.memref_squeeze %dma_wait3A_452 : memref<1x632x128xf32, #tpu.memory_space<hbm>> -> memref<632x128xf32, #tpu.memory_space<hbm>>
      %dma_wait3A_454 = arith.constant 0 : i32
      %dma_wait3A_455 = tpu.memref_slice %arg14[%mul3A_443, %dma_wait3A_454] : memref<10112x128xf32, #tpu.memory_space<vmem_shared>> -> memref<632x128xf32, #tpu.memory_space<vmem_shared>>
      tpu.wait_dma2 semaphore(%run_scoped3A : memref<!tpu.dma_semaphore, #tpu.memory_space<semaphore_mem>>) src(%dma_wait3A_455 : memref<632x128xf32, #tpu.memory_space<vmem_shared>>) dst(%dma_wait3A_453 : memref<632x128xf32, #tpu.memory_space<hbm>>)
      tpu.yield
    }) : () -> ()
    return
  }
}

module attributes {stable_mosaic.version = 14 : i64} {
  func.func @_table_body(%arg0: memref<128x128xf32, #tpu.memory_space<vmem>>, %arg1: memref<16x128xf32, #tpu.memory_space<vmem>>, %arg2: memref<256x128xf32, #tpu.memory_space<vmem>>, %arg3: memref<128xf32, #tpu.memory_space<vmem>>, %arg4: memref<128x128xf32, #tpu.memory_space<vmem>>, %arg5: memref<128xf32, #tpu.memory_space<vmem>>, %arg6: memref<2048x128xf32, #tpu.memory_space<vmem>>) attributes {dimension_semantics = [], scalar_prefetch = 0 : i64, scratch_operands = 0 : i64, tpu.core_type = #tpu.core_type<tc>} {
    %get3A = arith.constant 0 : index
    %get3A_0 = arith.constant 0 : index
    %get3A_1 = vector.load %arg0[%get3A, %get3A_0] : memref<128x128xf32, #tpu.memory_space<vmem>>, vector<128x128xf32>
    %get3A_2 = arith.constant 0 : index
    %get3A_3 = arith.constant 0 : index
    %get3A_4 = vector.load %arg2[%get3A_2, %get3A_3] : memref<256x128xf32, #tpu.memory_space<vmem>>, vector<128x128xf32>
    %dot_general3A = arith.constant dense<0.000000e+00> : vector<128x128xf32>
    %dot_general3A_5 = tpu.matmul %get3A_1, %get3A_4, %dot_general3A {dimension_numbers = #tpu.dot_dimension_numbers<[1], [0], [0], [1], [0, 0, 1, 1], [], []>, transpose_lhs_hint = false} : vector<128x128xf32>, vector<128x128xf32>, vector<128x128xf32> -> vector<128x128xf32>
    %get3A_6 = arith.constant 0 : index
    %get3A_7 = arith.constant 0 : index
    %get3A_8 = vector.load %arg1[%get3A_6, %get3A_7] : memref<16x128xf32, #tpu.memory_space<vmem>>, vector<16x128xf32>
    %get3A_9 = arith.constant 128 : index
    %get3A_10 = arith.constant 0 : index
    %get3A_11 = vector.load %arg2[%get3A_9, %get3A_10] : memref<256x128xf32, #tpu.memory_space<vmem>>, vector<128x128xf32>
    %dot_general3A_12 = arith.constant dense<0.000000e+00> : vector<16x128xf32>
    %dot_general3A_13 = tpu.matmul %get3A_8, %get3A_11, %dot_general3A_12 {dimension_numbers = #tpu.dot_dimension_numbers<[1], [0], [0], [1], [0, 0, 1, 1], [], []>, transpose_lhs_hint = false} : vector<16x128xf32>, vector<128x128xf32>, vector<16x128xf32> -> vector<16x128xf32>
    %get3A_14 = arith.constant 0 : index
    %get3A_15 = vector.load %arg3[%get3A_14] : memref<128xf32, #tpu.memory_space<vmem>>, vector<128xf32>
    %broadcast_in_dim3A = vector.shape_cast %get3A_15 : vector<128xf32> to vector<1x128xf32>
    %add3A = vector.broadcast %broadcast_in_dim3A : vector<1x128xf32> to vector<16x128xf32>
    %add3A_16 = arith.addf %dot_general3A_13, %add3A : vector<16x128xf32>
    %iota3A = tpu.iota {dimensions = array<i32: 0>} : vector<2048x1xi32>
    %jit3A = arith.constant 16 : i32
    %div3A = vector.broadcast %jit3A : i32 to vector<2048x1xi32>
    %div3A_17 = arith.divsi %iota3A, %div3A : vector<2048x1xi32>
    %sign3A = arith.constant 0 : i32
    %sign3A_18 = vector.broadcast %sign3A : i32 to vector<2048x1xi32>
    %sign3A_19 = arith.cmpi sgt, %iota3A, %sign3A_18 : vector<2048x1xi32>
    %sign3A_20 = arith.extui %sign3A_19 : vector<2048x1xi1> to vector<2048x1xi32>
    %sign3A_21 = arith.constant 0 : i32
    %sign3A_22 = vector.broadcast %sign3A_21 : i32 to vector<2048x1xi32>
    %sign3A_23 = arith.cmpi slt, %iota3A, %sign3A_22 : vector<2048x1xi32>
    %sign3A_24 = arith.extui %sign3A_23 : vector<2048x1xi1> to vector<2048x1xi32>
    %sign3A_25 = arith.subi %sign3A_20, %sign3A_24 : vector<2048x1xi32>
    %sign3A_26 = arith.constant 0 : i32
    %sign3A_27 = arith.cmpi sgt, %jit3A, %sign3A_26 : i32
    %sign3A_28 = arith.extui %sign3A_27 : i1 to i32
    %sign3A_29 = arith.constant 0 : i32
    %sign3A_30 = arith.cmpi slt, %jit3A, %sign3A_29 : i32
    %sign3A_31 = arith.extui %sign3A_30 : i1 to i32
    %sign3A_32 = arith.subi %sign3A_28, %sign3A_31 : i32
    %ne3A = vector.broadcast %sign3A_32 : i32 to vector<2048x1xi32>
    %ne3A_33 = arith.cmpi ne, %sign3A_25, %ne3A : vector<2048x1xi32>
    %rem3A = vector.broadcast %jit3A : i32 to vector<2048x1xi32>
    %rem3A_34 = arith.remsi %iota3A, %rem3A : vector<2048x1xi32>
    %ne3A_35 = arith.constant 0 : i32
    %ne3A_36 = vector.broadcast %ne3A_35 : i32 to vector<2048x1xi32>
    %ne3A_37 = arith.cmpi ne, %rem3A_34, %ne3A_36 : vector<2048x1xi32>
    %and3A = arith.andi %ne3A_33, %ne3A_37 : vector<2048x1xi1>
    %sub3A = arith.constant 1 : i32
    %sub3A_38 = vector.broadcast %sub3A : i32 to vector<2048x1xi32>
    %sub3A_39 = arith.subi %div3A_17, %sub3A_38 : vector<2048x1xi32>
    %select_n3A = arith.select %and3A, %sub3A_39, %div3A_17 : vector<2048x1xi1>, vector<2048x1xi32>
    %iota3A_40 = tpu.iota {dimensions = array<i32: 1>} : vector<2048x128xi32>
    %eq3A = vector.broadcast %select_n3A : vector<2048x1xi32> to vector<2048x128xi32>
    %eq3A_41 = arith.cmpi eq, %eq3A, %iota3A_40 : vector<2048x128xi32>
    %convert_element_type3A = arith.extui %eq3A_41 : vector<2048x128xi1> to vector<2048x128xi32>
    %convert_element_type3A_42 = arith.sitofp %convert_element_type3A : vector<2048x128xi32> to vector<2048x128xf32>
    %jit3A_43 = arith.constant 16 : i32
    %eq3A_44 = arith.constant 0 : i32
    %eq3A_45 = arith.cmpi eq, %jit3A_43, %eq3A_44 : i32
    %jit3A_46 = arith.constant 1 : i32
    %select_n3A_47 = arith.select %eq3A_45, %jit3A_46, %jit3A_43 : i32
    %rem3A_48 = vector.broadcast %select_n3A_47 : i32 to vector<2048x1xi32>
    %rem3A_49 = arith.remsi %iota3A, %rem3A_48 : vector<2048x1xi32>
    %ne3A_50 = arith.constant 0 : i32
    %ne3A_51 = vector.broadcast %ne3A_50 : i32 to vector<2048x1xi32>
    %ne3A_52 = arith.cmpi ne, %rem3A_49, %ne3A_51 : vector<2048x1xi32>
    %lt3A = arith.constant 0 : i32
    %lt3A_53 = vector.broadcast %lt3A : i32 to vector<2048x1xi32>
    %lt3A_54 = arith.cmpi slt, %rem3A_49, %lt3A_53 : vector<2048x1xi32>
    %lt3A_55 = arith.constant 0 : i32
    %lt3A_56 = arith.cmpi slt, %select_n3A_47, %lt3A_55 : i32
    %ne3A_57 = vector.broadcast %lt3A_56 : i1 to vector<2048x1xi1>
    %ne3A_58 = vector.broadcast %ne3A_57 : vector<2048x1xi1> to vector<2048x1xi1>
    %ne3A_59 = arith.xori %lt3A_54, %ne3A_58 : vector<2048x1xi1>
    %and3A_60 = arith.andi %ne3A_59, %ne3A_52 : vector<2048x1xi1>
    %add3A_61 = vector.broadcast %select_n3A_47 : i32 to vector<2048x1xi32>
    %add3A_62 = arith.addi %rem3A_49, %add3A_61 : vector<2048x1xi32>
    %select_n3A_63 = arith.select %and3A_60, %add3A_62, %rem3A_49 : vector<2048x1xi1>, vector<2048x1xi32>
    %iota3A_64 = tpu.iota {dimensions = array<i32: 1>} : vector<2048x16xi32>
    %eq3A_65 = vector.broadcast %select_n3A_63 : vector<2048x1xi32> to vector<2048x16xi32>
    %eq3A_66 = arith.cmpi eq, %eq3A_65, %iota3A_64 : vector<2048x16xi32>
    %convert_element_type3A_67 = arith.extui %eq3A_66 : vector<2048x16xi1> to vector<2048x16xi32>
    %convert_element_type3A_68 = arith.sitofp %convert_element_type3A_67 : vector<2048x16xi32> to vector<2048x16xf32>
    %dot_general3A_69 = arith.constant dense<0.000000e+00> : vector<2048x128xf32>
    %dot_general3A_70 = tpu.matmul %convert_element_type3A_42, %dot_general3A_5, %dot_general3A_69 {dimension_numbers = #tpu.dot_dimension_numbers<[1], [0], [0], [1], [0, 0, 1, 1], [], []>, transpose_lhs_hint = false} : vector<2048x128xf32>, vector<128x128xf32>, vector<2048x128xf32> -> vector<2048x128xf32>
    %dot_general3A_71 = arith.constant dense<0.000000e+00> : vector<2048x128xf32>
    %dot_general3A_72 = tpu.matmul %convert_element_type3A_68, %add3A_16, %dot_general3A_71 {dimension_numbers = #tpu.dot_dimension_numbers<[1], [0], [0], [1], [0, 0, 1, 1], [], []>, transpose_lhs_hint = false} : vector<2048x16xf32>, vector<16x128xf32>, vector<2048x128xf32> -> vector<2048x128xf32>
    %add3A_73 = arith.addf %dot_general3A_70, %dot_general3A_72 : vector<2048x128xf32>
    %max3A = arith.constant 0.000000e+00 : f32
    %max3A_74 = vector.broadcast %max3A : f32 to vector<2048x128xf32>
    %max3A_75 = arith.maximumf %add3A_73, %max3A_74 : vector<2048x128xf32>
    %get3A_76 = arith.constant 0 : index
    %get3A_77 = arith.constant 0 : index
    %get3A_78 = vector.load %arg4[%get3A_76, %get3A_77] : memref<128x128xf32, #tpu.memory_space<vmem>>, vector<128x128xf32>
    %dot_general3A_79 = arith.constant dense<0.000000e+00> : vector<2048x128xf32>
    %dot_general3A_80 = tpu.matmul %max3A_75, %get3A_78, %dot_general3A_79 {dimension_numbers = #tpu.dot_dimension_numbers<[1], [0], [0], [1], [0, 0, 1, 1], [], []>, transpose_lhs_hint = false} : vector<2048x128xf32>, vector<128x128xf32>, vector<2048x128xf32> -> vector<2048x128xf32>
    %get3A_81 = arith.constant 0 : index
    %get3A_82 = vector.load %arg5[%get3A_81] : memref<128xf32, #tpu.memory_space<vmem>>, vector<128xf32>
    %broadcast_in_dim3A_83 = vector.shape_cast %get3A_82 : vector<128xf32> to vector<1x128xf32>
    %add3A_84 = vector.broadcast %broadcast_in_dim3A_83 : vector<1x128xf32> to vector<2048x128xf32>
    %add3A_85 = arith.addf %dot_general3A_80, %add3A_84 : vector<2048x128xf32>
    %swap3A = arith.constant 0 : index
    %swap3A_86 = arith.constant 0 : index
    %swap3A_87 = vector.load %arg6[%swap3A, %swap3A_86] : memref<2048x128xf32, #tpu.memory_space<vmem>>, vector<2048x128xf32>
    tpu.vector_store %arg6[%swap3A, %swap3A_86], %add3A_85 {strides = array<i32>} : memref<2048x128xf32, #tpu.memory_space<vmem>>, vector<2048x128xf32>,
    return
  }
}

module attributes {stable_mosaic.version = 14 : i64} {
  func.func @_final_body(%arg0: i32, %arg1: memref<2x1264x128xf32, #tpu.memory_space<vmem>>, %arg2: memref<1264x1xi32, #tpu.memory_space<vmem>>, %arg3: memref<1264x1xi32, #tpu.memory_space<vmem>>, %arg4: memref<128x128xf32, #tpu.memory_space<vmem>>, %arg5: memref<384x128xf32, #tpu.memory_space<vmem>>, %arg6: memref<384x128xf32, #tpu.memory_space<vmem>>, %arg7: memref<384xf32, #tpu.memory_space<vmem>>, %arg8: memref<384xf32, #tpu.memory_space<vmem>>, %arg9: memref<128x128xf32, #tpu.memory_space<vmem>>, %arg10: memref<128xf32, #tpu.memory_space<vmem>>, %arg11: memref<128x1xf32, #tpu.memory_space<vmem>>, %arg12: memref<1xf32, #tpu.memory_space<vmem>>, %arg13: memref<128x128xf32, #tpu.memory_space<vmem>>, %arg14: memref<128xf32, #tpu.memory_space<vmem>>, %arg15: memref<128x1xf32, #tpu.memory_space<vmem>>, %arg16: memref<1xf32, #tpu.memory_space<vmem>>, %arg17: memref<256xf32, #tpu.memory_space<vmem>>) attributes {dimension_semantics = [#tpu.dimension_semantics<arbitrary>], iteration_bounds = array<i64: 8>, scalar_prefetch = 0 : i64, scratch_operands = 0 : i64, tpu.core_type = #tpu.core_type<tc>, window_params = [{transform_indices = @transform_0, window_bounds = array<i64: 2, 1264, 128>}, {transform_indices = @transform_1, window_bounds = array<i64: 1264, 1>}, {transform_indices = @transform_2, window_bounds = array<i64: 1264, 1>}, {pipeline_mode = #tpu.pipeline_mode<synchronous>, transform_indices = @transform_3, window_bounds = array<i64: 128, 128>}, {pipeline_mode = #tpu.pipeline_mode<synchronous>, transform_indices = @transform_4, window_bounds = array<i64: 384, 128>}, {pipeline_mode = #tpu.pipeline_mode<synchronous>, transform_indices = @transform_5, window_bounds = array<i64: 384, 128>}, {pipeline_mode = #tpu.pipeline_mode<synchronous>, transform_indices = @transform_6, window_bounds = array<i64: 384>}, {pipeline_mode = #tpu.pipeline_mode<synchronous>, transform_indices = @transform_7, window_bounds = array<i64: 384>}, {pipeline_mode = #tpu.pipeline_mode<synchronous>, transform_indices = @transform_8, window_bounds = array<i64: 128, 128>}, {pipeline_mode = #tpu.pipeline_mode<synchronous>, transform_indices = @transform_9, window_bounds = array<i64: 128>}, {pipeline_mode = #tpu.pipeline_mode<synchronous>, transform_indices = @transform_10, window_bounds = array<i64: 128, 1>}, {pipeline_mode = #tpu.pipeline_mode<synchronous>, transform_indices = @transform_11, window_bounds = array<i64: 1>}, {pipeline_mode = #tpu.pipeline_mode<synchronous>, transform_indices = @transform_12, window_bounds = array<i64: 128, 128>}, {pipeline_mode = #tpu.pipeline_mode<synchronous>, transform_indices = @transform_13, window_bounds = array<i64: 128>}, {pipeline_mode = #tpu.pipeline_mode<synchronous>, transform_indices = @transform_14, window_bounds = array<i64: 128, 1>}, {pipeline_mode = #tpu.pipeline_mode<synchronous>, transform_indices = @transform_15, window_bounds = array<i64: 1>}, {pipeline_mode = #tpu.pipeline_mode<synchronous>, transform_indices = @transform_16, window_bounds = array<i64: 256>}]} {
    %get3A = arith.constant 0 : index
    %get3A_0 = arith.constant 0 : index
    %get3A_1 = arith.constant 0 : index
    %get3A_2 = vector.load %arg1[%get3A, %get3A_0, %get3A_1] : memref<2x1264x128xf32, #tpu.memory_space<vmem>>, vector<1x1264x128xf32>
    %get3A_3 = vector.shape_cast %get3A_2 : vector<1x1264x128xf32> to vector<1264x128xf32>
    %get3A_4 = arith.constant 1 : index
    %get3A_5 = arith.constant 0 : index
    %get3A_6 = arith.constant 0 : index
    %get3A_7 = vector.load %arg1[%get3A_4, %get3A_5, %get3A_6] : memref<2x1264x128xf32, #tpu.memory_space<vmem>>, vector<1x1264x128xf32>
    %get3A_8 = vector.shape_cast %get3A_7 : vector<1x1264x128xf32> to vector<1264x128xf32>
    %add3A = arith.addf %get3A_3, %get3A_8 : vector<1264x128xf32>
    %get3A_9 = arith.constant 0 : index
    %get3A_10 = arith.constant 0 : index
    %get3A_11 = vector.load %arg2[%get3A_9, %get3A_10] : memref<1264x1xi32, #tpu.memory_space<vmem>>, vector<1264x1xi32>
    %iota3A = tpu.iota {dimensions = array<i32: 1>} : vector<1264x128xi32>
    %eq3A = vector.broadcast %get3A_11 : vector<1264x1xi32> to vector<1264x128xi32>
    %eq3A_12 = arith.cmpi eq, %eq3A, %iota3A : vector<1264x128xi32>
    %convert_element_type3A = arith.extui %eq3A_12 : vector<1264x128xi1> to vector<1264x128xi32>
    %convert_element_type3A_13 = arith.sitofp %convert_element_type3A : vector<1264x128xi32> to vector<1264x128xf32>
    %get3A_14 = arith.constant 0 : index
    %get3A_15 = arith.constant 0 : index
    %get3A_16 = vector.load %arg4[%get3A_14, %get3A_15] : memref<128x128xf32, #tpu.memory_space<vmem>>, vector<128x128xf32>
    %dot_general3A = arith.constant dense<0.000000e+00> : vector<1264x128xf32>
    %dot_general3A_17 = tpu.matmul %convert_element_type3A_13, %get3A_16, %dot_general3A {dimension_numbers = #tpu.dot_dimension_numbers<[1], [0], [0], [1], [0, 0, 1, 1], [], []>, transpose_lhs_hint = false} : vector<1264x128xf32>, vector<128x128xf32>, vector<1264x128xf32> -> vector<1264x128xf32>
    %get3A_18 = arith.constant 0 : index
    %get3A_19 = arith.constant 0 : index
    %get3A_20 = vector.load %arg5[%get3A_18, %get3A_19] : memref<384x128xf32, #tpu.memory_space<vmem>>, vector<384x128xf32>
    %dot_general3A_21 = arith.constant dense<0.000000e+00> : vector<1264x384xf32>
    %dot_general3A_22 = tpu.matmul %add3A, %get3A_20, %dot_general3A_21 {dimension_numbers = #tpu.dot_dimension_numbers<[1], [1], [0], [0], [0, 0, 1, 0], [], []>, transpose_lhs_hint = false} : vector<1264x128xf32>, vector<384x128xf32>, vector<1264x384xf32> -> vector<1264x384xf32>
    %get3A_23 = arith.constant 0 : index
    %get3A_24 = vector.load %arg7[%get3A_23] : memref<384xf32, #tpu.memory_space<vmem>>, vector<384xf32>
    %broadcast_in_dim3A = vector.shape_cast %get3A_24 : vector<384xf32> to vector<1x384xf32>
    %add3A_25 = vector.broadcast %broadcast_in_dim3A : vector<1x384xf32> to vector<1264x384xf32>
    %add3A_26 = arith.addf %dot_general3A_22, %add3A_25 : vector<1264x384xf32>
    %get3A_27 = arith.constant 0 : index
    %get3A_28 = arith.constant 0 : index
    %get3A_29 = vector.load %arg6[%get3A_27, %get3A_28] : memref<384x128xf32, #tpu.memory_space<vmem>>, vector<384x128xf32>
    %dot_general3A_30 = arith.constant dense<0.000000e+00> : vector<1264x384xf32>
    %dot_general3A_31 = tpu.matmul %dot_general3A_17, %get3A_29, %dot_general3A_30 {dimension_numbers = #tpu.dot_dimension_numbers<[1], [1], [0], [0], [0, 0, 1, 0], [], []>, transpose_lhs_hint = false} : vector<1264x128xf32>, vector<384x128xf32>, vector<1264x384xf32> -> vector<1264x384xf32>
    %get3A_32 = arith.constant 0 : index
    %get3A_33 = vector.load %arg8[%get3A_32] : memref<384xf32, #tpu.memory_space<vmem>>, vector<384xf32>
    %broadcast_in_dim3A_34 = vector.shape_cast %get3A_33 : vector<384xf32> to vector<1x384xf32>
    %add3A_35 = vector.broadcast %broadcast_in_dim3A_34 : vector<1x384xf32> to vector<1264x384xf32>
    %add3A_36 = arith.addf %dot_general3A_31, %add3A_35 : vector<1264x384xf32>
    %slice3A = vector.extract_strided_slice %add3A_26 {offsets = [0, 0], sizes = [1264, 128], strides = [1, 1]} : vector<1264x384xf32> to vector<1264x128xf32>
    %slice3A_37 = vector.extract_strided_slice %add3A_36 {offsets = [0, 0], sizes = [1264, 128], strides = [1, 1]} : vector<1264x384xf32> to vector<1264x128xf32>
    %add3A_38 = arith.addf %slice3A, %slice3A_37 : vector<1264x128xf32>
    %logistic3A = arith.negf %add3A_38 : vector<1264x128xf32>
    %logistic3A_39 = math.exp %logistic3A : vector<1264x128xf32>
    %logistic3A_40 = arith.constant 1.000000e+00 : f32
    %logistic3A_41 = vector.broadcast %logistic3A_40 : f32 to vector<1264x128xf32>
    %logistic3A_42 = arith.addf %logistic3A_41, %logistic3A_39 : vector<1264x128xf32>
    %logistic3A_43 = arith.divf %logistic3A_41, %logistic3A_42 : vector<1264x128xf32>
    %slice3A_44 = vector.extract_strided_slice %add3A_26 {offsets = [0, 128], sizes = [1264, 128], strides = [1, 1]} : vector<1264x384xf32> to vector<1264x128xf32>
    %slice3A_45 = vector.extract_strided_slice %add3A_36 {offsets = [0, 128], sizes = [1264, 128], strides = [1, 1]} : vector<1264x384xf32> to vector<1264x128xf32>
    %add3A_46 = arith.addf %slice3A_44, %slice3A_45 : vector<1264x128xf32>
    %logistic3A_47 = arith.negf %add3A_46 : vector<1264x128xf32>
    %logistic3A_48 = math.exp %logistic3A_47 : vector<1264x128xf32>
    %logistic3A_49 = arith.constant 1.000000e+00 : f32
    %logistic3A_50 = vector.broadcast %logistic3A_49 : f32 to vector<1264x128xf32>
    %logistic3A_51 = arith.addf %logistic3A_50, %logistic3A_48 : vector<1264x128xf32>
    %logistic3A_52 = arith.divf %logistic3A_50, %logistic3A_51 : vector<1264x128xf32>
    %slice3A_53 = vector.extract_strided_slice %add3A_26 {offsets = [0, 256], sizes = [1264, 128], strides = [1, 1]} : vector<1264x384xf32> to vector<1264x128xf32>
    %slice3A_54 = vector.extract_strided_slice %add3A_36 {offsets = [0, 256], sizes = [1264, 128], strides = [1, 1]} : vector<1264x384xf32> to vector<1264x128xf32>
    %mul3A = arith.mulf %logistic3A_43, %slice3A_54 : vector<1264x128xf32>
    %add3A_55 = arith.addf %slice3A_53, %mul3A : vector<1264x128xf32>
    %tanh3A = math.tanh %add3A_55 : vector<1264x128xf32>
    %sub3A = arith.constant 1.000000e+00 : f32
    %sub3A_56 = vector.broadcast %sub3A : f32 to vector<1264x128xf32>
    %sub3A_57 = arith.subf %sub3A_56, %logistic3A_52 : vector<1264x128xf32>
    %mul3A_58 = arith.mulf %sub3A_57, %tanh3A : vector<1264x128xf32>
    %mul3A_59 = arith.mulf %logistic3A_52, %dot_general3A_17 : vector<1264x128xf32>
    %add3A_60 = arith.addf %mul3A_58, %mul3A_59 : vector<1264x128xf32>
    %get3A_61 = arith.constant 0 : index
    %get3A_62 = arith.constant 0 : index
    %get3A_63 = vector.load %arg9[%get3A_61, %get3A_62] : memref<128x128xf32, #tpu.memory_space<vmem>>, vector<128x128xf32>
    %dot_general3A_64 = arith.constant dense<0.000000e+00> : vector<1264x128xf32>
    %dot_general3A_65 = tpu.matmul %add3A_60, %get3A_63, %dot_general3A_64 {dimension_numbers = #tpu.dot_dimension_numbers<[1], [0], [0], [1], [0, 0, 1, 1], [], []>, transpose_lhs_hint = false} : vector<1264x128xf32>, vector<128x128xf32>, vector<1264x128xf32> -> vector<1264x128xf32>
    %get3A_66 = arith.constant 0 : index
    %get3A_67 = vector.load %arg10[%get3A_66] : memref<128xf32, #tpu.memory_space<vmem>>, vector<128xf32>
    %broadcast_in_dim3A_68 = vector.shape_cast %get3A_67 : vector<128xf32> to vector<1x128xf32>
    %add3A_69 = vector.broadcast %broadcast_in_dim3A_68 : vector<1x128xf32> to vector<1264x128xf32>
    %add3A_70 = arith.addf %dot_general3A_65, %add3A_69 : vector<1264x128xf32>
    %max3A = arith.constant 0.000000e+00 : f32
    %max3A_71 = vector.broadcast %max3A : f32 to vector<1264x128xf32>
    %max3A_72 = arith.maximumf %add3A_70, %max3A_71 : vector<1264x128xf32>
    %get3A_73 = arith.constant 0 : index
    %get3A_74 = arith.constant 0 : index
    %get3A_75 = vector.load %arg11[%get3A_73, %get3A_74] : memref<128x1xf32, #tpu.memory_space<vmem>>, vector<128x1xf32>
    %dot_general3A_76 = arith.constant dense<0.000000e+00> : vector<1264x1xf32>
    %dot_general3A_77 = tpu.matmul %max3A_72, %get3A_75, %dot_general3A_76 {dimension_numbers = #tpu.dot_dimension_numbers<[1], [0], [0], [1], [0, 0, 1, 1], [], []>, transpose_lhs_hint = false} : vector<1264x128xf32>, vector<128x1xf32>, vector<1264x1xf32> -> vector<1264x1xf32>
    %get3A_78 = arith.constant 0 : index
    %get3A_79 = vector.load %arg12[%get3A_78] : memref<1xf32, #tpu.memory_space<vmem>>, vector<1xf32>
    %broadcast_in_dim3A_80 = vector.shape_cast %get3A_79 : vector<1xf32> to vector<1x1xf32>
    %add3A_81 = vector.broadcast %broadcast_in_dim3A_80 : vector<1x1xf32> to vector<1264x1xf32>
    %add3A_82 = arith.addf %dot_general3A_77, %add3A_81 : vector<1264x1xf32>
    %get3A_83 = arith.constant 0 : index
    %get3A_84 = arith.constant 0 : index
    %get3A_85 = vector.load %arg13[%get3A_83, %get3A_84] : memref<128x128xf32, #tpu.memory_space<vmem>>, vector<128x128xf32>
    %dot_general3A_86 = arith.constant dense<0.000000e+00> : vector<1264x128xf32>
    %dot_general3A_87 = tpu.matmul %dot_general3A_17, %get3A_85, %dot_general3A_86 {dimension_numbers = #tpu.dot_dimension_numbers<[1], [0], [0], [1], [0, 0, 1, 1], [], []>, transpose_lhs_hint = false} : vector<1264x128xf32>, vector<128x128xf32>, vector<1264x128xf32> -> vector<1264x128xf32>
    %get3A_88 = arith.constant 0 : index
    %get3A_89 = vector.load %arg14[%get3A_88] : memref<128xf32, #tpu.memory_space<vmem>>, vector<128xf32>
    %broadcast_in_dim3A_90 = vector.shape_cast %get3A_89 : vector<128xf32> to vector<1x128xf32>
    %add3A_91 = vector.broadcast %broadcast_in_dim3A_90 : vector<1x128xf32> to vector<1264x128xf32>
    %add3A_92 = arith.addf %dot_general3A_87, %add3A_91 : vector<1264x128xf32>
    %max3A_93 = arith.constant 0.000000e+00 : f32
    %max3A_94 = vector.broadcast %max3A_93 : f32 to vector<1264x128xf32>
    %max3A_95 = arith.maximumf %add3A_92, %max3A_94 : vector<1264x128xf32>
    %get3A_96 = arith.constant 0 : index
    %get3A_97 = arith.constant 0 : index
    %get3A_98 = vector.load %arg15[%get3A_96, %get3A_97] : memref<128x1xf32, #tpu.memory_space<vmem>>, vector<128x1xf32>
    %dot_general3A_99 = arith.constant dense<0.000000e+00> : vector<1264x1xf32>
    %dot_general3A_100 = tpu.matmul %max3A_95, %get3A_98, %dot_general3A_99 {dimension_numbers = #tpu.dot_dimension_numbers<[1], [0], [0], [1], [0, 0, 1, 1], [], []>, transpose_lhs_hint = false} : vector<1264x128xf32>, vector<128x1xf32>, vector<1264x1xf32> -> vector<1264x1xf32>
    %get3A_101 = arith.constant 0 : index
    %get3A_102 = vector.load %arg16[%get3A_101] : memref<1xf32, #tpu.memory_space<vmem>>, vector<1xf32>
    %broadcast_in_dim3A_103 = vector.shape_cast %get3A_102 : vector<1xf32> to vector<1x1xf32>
    %add3A_104 = vector.broadcast %broadcast_in_dim3A_103 : vector<1x1xf32> to vector<1264x1xf32>
    %add3A_105 = arith.addf %dot_general3A_100, %add3A_104 : vector<1264x1xf32>
    %get3A_106 = arith.constant 0 : index
    %get3A_107 = arith.constant 0 : index
    %get3A_108 = vector.load %arg3[%get3A_106, %get3A_107] : memref<1264x1xi32, #tpu.memory_space<vmem>>, vector<1264x1xi32>
    %add3A_109 = arith.addf %add3A_82, %add3A_105 : vector<1264x1xf32>
    %logistic3A_110 = arith.negf %add3A_109 : vector<1264x1xf32>
    %logistic3A_111 = math.exp %logistic3A_110 : vector<1264x1xf32>
    %logistic3A_112 = arith.constant 1.000000e+00 : f32
    %logistic3A_113 = vector.broadcast %logistic3A_112 : f32 to vector<1264x1xf32>
    %logistic3A_114 = arith.addf %logistic3A_113, %logistic3A_111 : vector<1264x1xf32>
    %logistic3A_115 = arith.divf %logistic3A_113, %logistic3A_114 : vector<1264x1xf32>
    %ge3A = arith.constant 0 : i32
    %ge3A_116 = vector.broadcast %ge3A : i32 to vector<1264x1xi32>
    %ge3A_117 = arith.cmpi sge, %get3A_108, %ge3A_116 : vector<1264x1xi32>
    %jit3A = arith.constant 0.000000e+00 : f32
    %broadcast_in_dim3A_118 = vector.broadcast %jit3A : f32 to vector<1264x1xf32>
    %select_n3A = arith.select %ge3A_117, %logistic3A_115, %broadcast_in_dim3A_118 : vector<1264x1xi1>, vector<1264x1xf32>
    %iota3A_119 = tpu.iota {dimensions = array<i32: 1>} : vector<1264x256xi32>
    %eq3A_120 = vector.broadcast %get3A_108 : vector<1264x1xi32> to vector<1264x256xi32>
    %eq3A_121 = arith.cmpi eq, %eq3A_120, %iota3A_119 : vector<1264x256xi32>
    %convert_element_type3A_122 = arith.extui %eq3A_121 : vector<1264x256xi1> to vector<1264x256xi32>
    %convert_element_type3A_123 = arith.sitofp %convert_element_type3A_122 : vector<1264x256xi32> to vector<1264x256xf32>
    %dot_general3A_124 = arith.constant dense<0.000000e+00> : vector<1x256xf32>
    %dot_general3A_125 = tpu.matmul %select_n3A, %convert_element_type3A_123, %dot_general3A_124 {dimension_numbers = #tpu.dot_dimension_numbers<[0], [0], [1], [1], [0, 1, 1, 1], [], []>, transpose_lhs_hint = false} : vector<1264x1xf32>, vector<1264x256xf32>, vector<1x256xf32> -> vector<1x256xf32>
    %eq3A_126 = arith.constant 0 : i32
    %eq3A_127 = arith.cmpi eq, %arg0, %eq3A_126 : i32
    %convert_element_type3A_128 = arith.extui %eq3A_127 : i1 to i32
    %cond3A = arith.constant 0 : i32
    %cond3A_129 = arith.cmpi ne, %convert_element_type3A_128, %cond3A : i32
    scf.if %cond3A_129 {
      %broadcast_in_dim3A_134 = arith.constant 0.000000e+00 : f32
      %broadcast_in_dim3A_135 = vector.broadcast %broadcast_in_dim3A_134 : f32 to vector<256xf32>
      %swap3A_136 = arith.constant 0 : index
      %swap3A_137 = vector.load %arg17[%swap3A_136] : memref<256xf32, #tpu.memory_space<vmem>>, vector<256xf32>
      tpu.vector_store %arg17[%swap3A_136], %broadcast_in_dim3A_135 {strides = array<i32>} : memref<256xf32, #tpu.memory_space<vmem>>, vector<256xf32>,
    } else {
    }
    %get3A_130 = arith.constant 0 : index
    %get3A_131 = vector.load %arg17[%get3A_130] : memref<256xf32, #tpu.memory_space<vmem>>, vector<256xf32>
    %reshape3A = vector.shape_cast %dot_general3A_125 : vector<1x256xf32> to vector<256xf32>
    %add3A_132 = arith.addf %get3A_131, %reshape3A : vector<256xf32>
    %swap3A = arith.constant 0 : index
    %swap3A_133 = vector.load %arg17[%swap3A] : memref<256xf32, #tpu.memory_space<vmem>>, vector<256xf32>
    tpu.vector_store %arg17[%swap3A], %add3A_132 {strides = array<i32>} : memref<256xf32, #tpu.memory_space<vmem>>, vector<256xf32>,
    return
  }
  func.func @transform_0(%arg0: i32) -> (i32, i32, i32) {
    %c0_i32 = arith.constant 0 : i32
    %c0_i32_0 = arith.constant 0 : i32
    %c0_i32_1 = arith.constant 0 : i32
    return %c0_i32, %arg0, %c0_i32_0 : i32, i32, i32
  }
  func.func @transform_1(%arg0: i32) -> (i32, i32) {
    %c0_i32 = arith.constant 0 : i32
    %c0_i32_0 = arith.constant 0 : i32
    return %arg0, %c0_i32 : i32, i32
  }
  func.func @transform_2(%arg0: i32) -> (i32, i32) {
    %c0_i32 = arith.constant 0 : i32
    %c0_i32_0 = arith.constant 0 : i32
    return %arg0, %c0_i32 : i32, i32
  }
  func.func @transform_3(%arg0: i32) -> (i32, i32) {
    %c0_i32 = arith.constant 0 : i32
    %c0_i32_0 = arith.constant 0 : i32
    %c0_i32_1 = arith.constant 0 : i32
    return %c0_i32, %c0_i32_0 : i32, i32
  }
  func.func @transform_4(%arg0: i32) -> (i32, i32) {
    %c0_i32 = arith.constant 0 : i32
    %c0_i32_0 = arith.constant 0 : i32
    %c0_i32_1 = arith.constant 0 : i32
    return %c0_i32, %c0_i32_0 : i32, i32
  }
  func.func @transform_5(%arg0: i32) -> (i32, i32) {
    %c0_i32 = arith.constant 0 : i32
    %c0_i32_0 = arith.constant 0 : i32
    %c0_i32_1 = arith.constant 0 : i32
    return %c0_i32, %c0_i32_0 : i32, i32
  }
  func.func @transform_6(%arg0: i32) -> i32 {
    %c0_i32 = arith.constant 0 : i32
    %c0_i32_0 = arith.constant 0 : i32
    return %c0_i32 : i32
  }
  func.func @transform_7(%arg0: i32) -> i32 {
    %c0_i32 = arith.constant 0 : i32
    %c0_i32_0 = arith.constant 0 : i32
    return %c0_i32 : i32
  }
  func.func @transform_8(%arg0: i32) -> (i32, i32) {
    %c0_i32 = arith.constant 0 : i32
    %c0_i32_0 = arith.constant 0 : i32
    %c0_i32_1 = arith.constant 0 : i32
    return %c0_i32, %c0_i32_0 : i32, i32
  }
  func.func @transform_9(%arg0: i32) -> i32 {
    %c0_i32 = arith.constant 0 : i32
    %c0_i32_0 = arith.constant 0 : i32
    return %c0_i32 : i32
  }
  func.func @transform_10(%arg0: i32) -> (i32, i32) {
    %c0_i32 = arith.constant 0 : i32
    %c0_i32_0 = arith.constant 0 : i32
    %c0_i32_1 = arith.constant 0 : i32
    return %c0_i32, %c0_i32_0 : i32, i32
  }
  func.func @transform_11(%arg0: i32) -> i32 {
    %c0_i32 = arith.constant 0 : i32
    %c0_i32_0 = arith.constant 0 : i32
    return %c0_i32 : i32
  }
  func.func @transform_12(%arg0: i32) -> (i32, i32) {
    %c0_i32 = arith.constant 0 : i32
    %c0_i32_0 = arith.constant 0 : i32
    %c0_i32_1 = arith.constant 0 : i32
    return %c0_i32, %c0_i32_0 : i32, i32
  }
  func.func @transform_13(%arg0: i32) -> i32 {
    %c0_i32 = arith.constant 0 : i32
    %c0_i32_0 = arith.constant 0 : i32
    return %c0_i32 : i32
  }
  func.func @transform_14(%arg0: i32) -> (i32, i32) {
    %c0_i32 = arith.constant 0 : i32
    %c0_i32_0 = arith.constant 0 : i32
    %c0_i32_1 = arith.constant 0 : i32
    return %c0_i32, %c0_i32_0 : i32, i32
  }
  func.func @transform_15(%arg0: i32) -> i32 {
    %c0_i32 = arith.constant 0 : i32
    %c0_i32_0 = arith.constant 0 : i32
    return %c0_i32 : i32
  }
  func.func @transform_16(%arg0: i32) -> i32 {
    %c0_i32 = arith.constant 0 : i32
    %c0_i32_0 = arith.constant 0 : i32
    return %c0_i32 : i32
  }
}

</mosaic_0001>

<sc_bundles>
// kernel: kernel.5.cloned.1.call-start
scs
__scs_entry_jumppad:
0x0: {  	(pc) =	sbr.rel $0x88, $3  }
0x1: {  	(tag) =	ssettag $0x0;
	lr =	simm.s32 $0x1  }
0x2: {  	[smem:$0x3F8B] =	sst lr;
	_ =	strace $0xD0000000  }
0x3: {  	_ = 	snop  }
0x4: {  	_ = 	snop  }
0x5: {  	_ = 	snop  }
0x6: {  	_ = 	snop  }
0x7: {  	_ = 	snop  }
__scs_overlays_trampoline_lowered:
0x8: {  	[smem:$0x3F9A] =	sst s0  }
0x9: {  	[smem:$0x3F9B] =	sst s1  }
0xa: {  	[smem:$0x3F9C] =	sst s2  }
0xb: {  	[smem:$0x3F9D] =	sst s3  }
0xc: {  	[smem:$0x3F9E] =	sst s4  }
0xd: {  	[smem:$0x3F9F] =	sst s5  }
0xe: {  	[smem:$0x3FA0] =	sst s6  }
0xf: {  	[smem:$0x3FA1] =	sst s7  }
0x10: {  	[smem:$0x3FA2] =	sst s8  }
0x11: {  	[smem:$0x3FA3] =	sst s9;
	s0 =	simm.s32 @!p0 $0x0  }
0x12: {  	s1 =	sld [smem:$0x3F89];
	s0 =	simm.s32 @p0 $0x1  }
0x13: {  	[smem:$0x3FA4] =	sst s0;
	s0 =	simm.s32 @!p1 $0x0  }
0x14: {  	s2 =	sld [smem:$0x3F88];
	s0 =	simm.s32 @p1 $0x1  }
0x15: {  	[smem:$0x3FA5] =	sst s0;
	s0 =	simm.s32 @!p2 $0x0  }
0x16: {  	s3 =	sld [smem:$0x3FDB];
	s0 =	simm.s32 @p2 $0x1  }
0x17: {  	s4 =	simm.s32 $0x1BF5;
	[smem:$0x3FA7] =	sst s0  }
0x18: {  	s0 =	sld [smem:$0x3F8A];
	_ =	swait.ge [sflag:s4], $0x0  }
0x19: {  	s7 =	sld [smem:$0x3F8B]  }
0x1a: {  	s8 =	sadd.s32 $0xFFFFE003, lr  }
0x1b: {  	s9 =	sadd.s32 $0xFFFFFEF7, lr;
	s5 =	simm.s32 $0xFFFFFFFF;
	p2 =	slt.u32 s8, $0xFFFFF086  }
0x1c: {  	p1 =	slt.u32 s9, $0xF7A;
	s5 =	simm.s32 @!p2 $0x0  }
0x1d: {  	s5 =	simm.s32 @p1 $0x1;
	p0 =	seq.s32 s7, s2  }
0x1e: {  	s7 =	smul.u32 @!p0 $0xF7A, s2;
	p2 =	seq.s32 @!p0 s5, $0x0  }
0x1f: {  	s9 =	smul.u32 $0xF7A, s1;
	s8 =	simm.s32 @!p0 $0x1BF5;
	p2 =	por !p2, p0  }
0x20: {  	[sflag:s8] =	ssyncset.s32 @!p0 $0xFFFFF086;
	s6 =	sadd.s32 @!p0 s3, s7;
	s7 =	simm.s32 @!p0 $0x108  }
0x21: {  	s3 =	sadd.s32 s3, s9;
	s6 =	sadd.s32 @!p0 $0x88, s6;
	s7 =	simm.s32 @p2 $0x1082  }
0x22: {  	[simem:s7], [sflag:s8] =	dma.local @!p0 [hbm:s6], $0xF7A  }
0x23: {  	s9 =	sor.u32 $0xD0000000, s2;
	s6 =	simm.s32 $0x108;
	_ =	swait.ge @!p0 [sflag:s8], $0x0  }
0x24: {  	s3 =	sadd.s32 $0x88, s3;
	s6 =	simm.s32 @!p1 $0x1082;
	[sflag:s4] =	ssyncset.s32 $0xFFFFF086  }
0x25: {  	[simem:s6], [sflag:s4] =	dma.local [hbm:s3], $0xF7A  }
0x26: {  	[smem:$0x3F8B] =	sst s1;
	(tag) =	ssettag s2;
	_ =	strace s9  }
0x27: {  	s1 =	sld [smem:$0x3F9B]  }
0x28: {  	s2 =	sld [smem:$0x3F9C]  }
0x29: {  	s4 =	sld [smem:$0x3F9E]  }
0x2a: {  	p0 =	seq.s32 s5, $0x0;
	s5 =	sld [smem:$0x3F9F]  }
0x2b: {  	s6 =	sld [smem:$0x3FA0]  }
0x2c: {  	s7 =	sld [smem:$0x3FA1]  }
0x2d: {  	s3 =	simm.s32 $0x108;
	s8 =	sld [smem:$0x3FA2]  }
0x2e: {  	s3 =	simm.s32 @!p0 $0x1082;
	s9 =	sld [smem:$0x3FA3]  }
0x2f: {  	lr =	sadd.s32 s0, s3;
	s0 =	sld [smem:$0x3F9A]  }
0x30: {  	s3 =	sld [smem:$0x3F9D]  }
0x31: {  	[smem:$0x3FA6] =	sst s10  }
0x32: {  	s10 =	sld [smem:$0x3FA4];
	_ =	sdelay $0x3  }
0x33: {  	p0 =	seq.s32 s10, $0x1;
	s10 =	sld [smem:$0x3FA6];
	_ =	sdelay $0x3  }
0x34: {  	[smem:$0x3FA6] =	sst s10  }
0x35: {  	s10 =	sld [smem:$0x3FA5];
	_ =	sdelay $0x3  }
0x36: {  	p1 =	seq.s32 s10, $0x1;
	s10 =	sld [smem:$0x3FA6];
	_ =	sdelay $0x3  }
0x37: {  	[smem:$0x3FA6] =	sst s10  }
0x38: {  	s10 =	sld [smem:$0x3FA7]  }
0x39: {  	_ = 	snop;
	(pc) =	sbr.ind lr, $3  }
0x3a: {  	_ = 	snop  }
0x3b: {  	_ = 	snop  }
0x3c: {  	p2 =	seq.s32 s10, $0x1;
	s10 =	sld [smem:$0x3FA6]  }
0x3d: {  	_ =	shalt  }
0x3e: {  	_ =	shalt  }
0x3f: {  	_ =	shalt  }
0x40: {  	_ =	shalt  }
0x41: {  	_ =	shalt  }
0x42: {  	_ =	shalt  }
0x43: {  	_ =	shalt  }
0x44: {  	_ =	shalt  }
0x45: {  	_ =	shalt  }
0x46: {  	_ =	shalt  }
0x47: {  	_ =	shalt  }
0x48: {  	_ =	shalt  }
0x49: {  	_ =	shalt  }
0x4a: {  	_ =	shalt  }
0x4b: {  	_ =	shalt  }
0x4c: {  	_ =	shalt  }
0x4d: {  	_ =	shalt  }
0x4e: {  	_ =	shalt  }
0x4f: {  	_ =	shalt  }
0x50: {  	_ =	shalt  }
0x51: {  	_ =	shalt  }
0x52: {  	_ =	shalt  }
0x53: {  	_ =	shalt  }
0x54: {  	_ =	shalt  }
0x55: {  	_ =	shalt  }
0x56: {  	_ =	shalt  }
0x57: {  	_ =	shalt  }
0x58: {  	_ =	shalt  }
0x59: {  	_ =	shalt  }
0x5a: {  	_ =	shalt  }
0x5b: {  	_ =	shalt  }
0x5c: {  	_ =	shalt  }
0x5d: {  	_ =	shalt  }
0x5e: {  	_ =	shalt  }
0x5f: {  	_ =	shalt  }
0x60: {  	_ =	shalt  }
0x61: {  	_ =	shalt  }
0x62: {  	_ =	shalt  }
0x63: {  	_ =	shalt  }
0x64: {  	_ =	shalt  }
0x65: {  	_ =	shalt  }
0x66: {  	_ =	shalt  }
0x67: {  	_ =	shalt  }
0x68: {  	_ =	shalt  }
0x69: {  	_ =	shalt  }
0x6a: {  	_ =	shalt  }
0x6b: {  	_ =	shalt  }
0x6c: {  	_ =	shalt  }
0x6d: {  	_ =	shalt  }
0x6e: {  	_ =	shalt  }
0x6f: {  	_ =	shalt  }
0x70: {  	_ =	shalt  }
0x71: {  	_ =	shalt  }
0x72: {  	_ =	shalt  }
0x73: {  	_ =	shalt  }
0x74: {  	_ =	shalt  }
0x75: {  	_ =	shalt  }
0x76: {  	_ =	shalt  }
0x77: {  	_ =	shalt  }
0x78: {  	_ =	shalt  }
0x79: {  	_ =	shalt  }
0x7a: {  	_ =	shalt  }
0x7b: {  	_ =	shalt  }
0x7c: {  	_ =	shalt  }
0x7d: {  	_ =	shalt  }
0x7e: {  	_ =	shalt  }
0x7f: {  	_ =	shalt  }
0x80: {  	_ =	shalt  }
0x81: {  	_ =	shalt  }
0x82: {  	_ =	shalt  }
0x83: {  	_ =	shalt  }
0x84: {  	_ =	shalt  }
0x85: {  	_ =	shalt  }
0x86: {  	_ =	shalt  }
0x87: {  	_ =	shalt  }
.Lfunc_end0:
.L_simem_size_0:
called_computation_lowered:
.L_overlay_start_0:
0x88: {  	s2 =	sld [smem:$0x3FD9]  }
0x89: {  	s3 =	sld [smem:$0x3FFE];
	_ =	sdelay $0x1  }
0x8a: {  	s1 =	srdreg.scid  }
0x8b: {  	s0 =	sand.u32 $0x1, s1  }
0x8c: {  	s16 =	sshll.u32 s0, $0xA;
	s2 =	sadd.s32 s3, s2  }
0x8d: {  	s2 =	sadd.s32 s2, s16  }
0x8e: {  	[smem:$0x3FB2] =	sst s2  }
0x8f: {  	_ = 	snop  }
0x90: {  	(tm) =	ssettm $0x1  }
0x91: {  	s17 =	sld [smem:$0x3FFB];
	_ =	sdelay $0x3  }
0x92: {  	_ =	strace s17  }
0x93: {  	s2 =	sld [smem:$0x3FFC];
	_ =	sdelay $0x3  }
0x94: {  	_ =	strace s2  }
0x95: {  	s2 =	sld [smem:$0x3FFD];
	_ =	sdelay $0x3  }
0x96: {  	_ =	strace s2  }
0x97: {  	_ =	strace $0x8FFFFFFF  }
0x98: {  	s18 =	sld [smem:$0x3FDB];
	_ =	sdelay $0x1  }
0x99: {  	s19 =	simm.s32 $_scs_section_size  }
0x9a: {  	s4 =	simm.s32 $_size__tile_overlayer_lowered;
	s5 =	simm.s32 $_tile_overlayer_lowered  }
0x9b: {  	s22 =	simm.s32 $0x1BFF;
	s21 =	sshll.u32 s5, $0x1;
	s2 =	sadd.s32 s19, s18  }
0x9c: {  	s6 =	simm.s32 $0x0;
	s20 =	sshll.u32 s4, $0x1;
	s4 =	sadd.s32 s21, s2  }
0x9d: {  	[timem:s6], [sflag:s22] =	dma.local [hbm:s4], s20  }
0x9e: {  	_ =	swait.ge [sflag:s22], s20  }
0x9f: {  	s3 =	ssub.s32 $0x0, s20;
	[sflag:s22] =	ssyncset.done $0x0  }
0xa0: {  	[sflag:s22] =	ssyncadd.s32 s3;
	_ =	sdelay $0x1  }
0xa1: {  	s23 =	simm.s32 $0x1B8B  }
0xa2: {  	_ =	swait.ge [sflag:s23], $0x1  }
0xa3: {  	[sflag:s23] =	ssyncset.done $0x0  }
0xa4: {  	s25 =	simm.s32 $0x1B8E;
	s24 =	sld [smem:$0x3FFE];
	[sflag:s23] =	ssyncadd.s32 $0xFFFFFFFF  }
0xa5: {  	s26 =	simm.s32 $execute0_lowered;
	[smem:$0x3FD2] =	sst s25  }
0xa6: {  	s4 =	sshll.u32 s26, $0x1;
	_ =	strace $0x80000046;
	[dreg:$0x1] =	wrdreg $0xFFFFFFFF  }
0xa7: {  	s28 =	simm.s32 $_size_execute0_lowered;
	s2 =	sadd.s32 s2, s4;
	[dreg:$0x0] =	wrdreg $0x0  }
0xa8: {  	s4 =	sshll.u32 s28, $0x1;
	[dreg:$0x2] =	wrdreg s2  }
0xa9: {  	[dreg:$0x3] =	wrdreg s4  }
0xaa: {  	[dreg:$0x4] =	wrdreg $0xC0  }
0xab: {  	_ =	task [dreg:s6], $0x5FFFF  }
0xac: {  	[dreg:$0x1] =	wrdreg $0xFFFFFFFF  }
0xad: {  	[dreg:$0x0] =	wrdreg $0x60  }
0xae: {  	[dreg:$0x2] =	wrdreg s24  }
0xaf: {  	[dreg:$0x3] =	wrdreg $0xB7000  }
0xb0: {  	[dreg:$0x4] =	wrdreg $0x9  }
0xb1: {  	_ =	task.clear_ibuf [dreg:s6], $0x5FFFF;
	_ =	strace $0x90000046  }
0xb2: {  	s29 =	simm.s32 $0x9;
	_ =	strace $0x80000048  }
0xb3: {  	_ =	swait.ge [sflag:s29], $0x1  }
0xb4: {  	[sflag:s29] =	ssyncadd.s32 $0xFFFFFFFF  }
0xb5: {  	_ =	strace $0x90000048  }
0xb6: {  	_ =	sfence  }
0xb7: {  	s30 =	sld [smem:$0x0];
	_ =	sdelay $0x2  }
0xb8: {  	s31 =	sshll.u32 s1, $0xD;
	s1 =	sshrl.u32 s1, $0x2  }
0xb9: {  	s3 =	sand.u32 $0x4000, s31;
	s1 =	sadd.s32 s1, s30  }
0xba: {  	s0 =	sor.u32 s3, s0;
	s1 =	sshll.u32 s1, $0x11  }
0xbb: {  	s0 =	sor.u32 s1, s0  }
0xbc: {  	s0 =	sadd.s32 $0x8F2B, s0  }
0xbd: {  	[sflag:s0] =	ssyncadd.remote.s32 $0x1  }
0xbe: {  	_ =	sfence.sel $0xFFFF  }
0xbf: {  	[dreg:$0x0] =	wrdreg $0xFFFFFFFF;
	(pc) =	sbr.abs _section_cstart, $3  }
0xc0: {  	[dreg:$0x1] =	wrdreg $0xFFFFFFFF  }
0xc1: {  	_ =	task.clear_ibuf [dreg:s6], $0x2FFFF;
	_ =	strace $0x9FFFFFFF  }
0xc2: {  	(tm) =	ssettm $0x7FFFFFFF  }
0xc3: {  	_ =	shalt  }
tec
execute0_lowered:
.L_overlay_start_1:
0x0: {  	(tag) =	ssettag $0x1  }
0x1: {  	s0 =	rddreg [dreg:$0x0]  }
0x2: {  	s1 =	rddreg [dreg:$0x1];
	s3 =	simm.s32 $0x0;
	s2 =	srdreg.scid  }
0x3: {  	s10 =	stileid.u32;
	s21 =	simm.s32 $0x4;
	s24 =	simm.s32 $0xD00  }
0x4: {  	s29 =	simm.s32 $0x1;
	s30 =	simm.s32 $0x70;
	s23 =	simm.s32 $0x3  }
0x5: {  	[smem:$0x7FF] =	sst s3;
	s2 =	sand.u32 $0x1, s2;
	s4 =	sadd.s32 $0x19600, s0  }
0x6: {  	s9 =	smul.u32 $0x13C00, s10;
	s5 =	sadd.s32 $0x2600, s0;
	s6 =	sadd.s32 $0x30800, s0  }
0x7: {  	s8 =	sadd.s32 $0x30600, s0;
	s11 =	smul.u32 $0x4F000, s10;
	s13 =	sadd.s32 $0x4F800, s0  }
0x8: {  	s28 =	sshll.u32 s10, $0x6;
	s7 =	smul.u32 $0x13C000, s2;
	_ =	strace $0x80000047  }
0x9: {  	[dreg:$0x3] =	wrdreg s8;
	s25 =	sshll.u32 s2, $0x4;
	s2 =	ssub.s32 $0x2, s2  }
0xa: {  	s8 =	sadd.s32 $0x47800, s0;
	[dreg:$0x4] =	wrdreg s13;
	s12 =	sshrl.u32 s2, $0x1  }
0xb: {  	s26 =	sshrl.u32 s11, $0x2;
	s11 =	sor.u32 $0x1C04, s28;
	s7 =	sadd.s32 s9, s7  }
0xc: {  	s9 =	sor.u32 s10, s25;
	s2 =	ssub.s32 s2, s12;
	s25 =	simm.s32 $0x0  }
0xd: {  	s7 =	sshrl.u32 s7, $0x3;
	s9 =	smul.u32 $0x5C00, s9;
	s19 =	smax.u32 s2, $0x1  }
.Ltmp0:
0xe: {  	s0 =	sadd.s32 s7, s0;
	s7 =	sadd.s32 s26, s1;
	(pc) =	sbr.rel .LBB2_1-.Ltmp0, $4  }
0xf: {  	s15 =	sshrl.u32 s9, $0x3;
	s18 =	sadd.s32 $0x52000, s0;
	s20 =	sshrl.u32 s7, $0x3  }
0x10: {  	s0 =	simm.s32 $0x2;
	s31 =	sadd.s32 s4, s15;
	s13 =	sadd.s32 s5, s15  }
0x11: {  	s14 =	sadd.s32 s6, s15;
	s17 =	sor.u32 $0x10, s15;
	[dreg:$0x5] =	wrdreg s31  }
0x12: {  	s15 =	sadd.s32 s4, s17;
	s16 =	sadd.s32 s5, s17;
	s17 =	sadd.s32 s6, s17  }
.LBB2_4:
0x13: {  	_ =	swait.ge [sflag:s0], $0x3800  }
0x14: {  	[sflag:s0] =	ssyncset.done $0x0  }
0x15: {  	s2 =	simm.s32 $0xC00;
	s7 =	simm.s32 $0x4700;
	[sflag:s0] =	ssyncadd.s32 $0xFFFFC800  }
0x16: {  	[spmem:s1] =	stream.indirect.scatter.add.f32 [tilespmem:s7], [sflag:$0x3], $0x80, s2, s30, $0xb8;
	[tilespmem:$0x1F300] =	vst v63  }
0x17: {  	_ =	swait.ge [sflag:s23], $0x3800  }
0x18: {  	[sflag:s23] =	ssyncset.done $0x0  }
0x19: {  	[sflag:s23] =	ssyncadd.s32 $0xFFFFC800  }
0x1a: {  	_ =	swait.ge [sflag:s23], $0x3800  }
0x1b: {  	s25 =	sadd.s32 $0x1, s25;
	[sflag:s23] =	ssyncset.done $0x0  }
0x1c: {  	p0 =	sne.s32 s25, s19;
	[sflag:s23] =	ssyncadd.s32 $0xFFFFC800  }
.Ltmp1:
0x1d: {  	[bflag:$0x0] =	sbarrier.arrive $0xFFFF;
	(pc) =	sbr.rel @!p0 .LBB2_5-.Ltmp1, $4  }
0x1e: {  	[hbm:s18], [sflag:s11] =	dma.local [spmem:s20], $0x2780  }
0x1f: {  	_ =	swait.ge [sflag:s21], $0x2780  }
0x20: {  	[sflag:s21] =	ssyncset.done $0x0  }
0x21: {  	[sflag:s21] =	ssyncadd.s32 $0xFFFFD880  }
.LBB2_1:
0x22: {  	s2 =	rddreg [dreg:$0x4]  }
0x23: {  	[spmem:s20], [sflag:s11] =	dma.local [hbm:s2], $0x2780  }
0x24: {  	_ =	swait.ge [sflag:s21], $0x2780  }
0x25: {  	[sflag:s21] =	ssyncset.done $0x0  }
0x26: {  	s22 =	rddreg [dreg:$0x3];
	[sflag:s21] =	ssyncadd.s32 $0xFFFFD880  }
0x27: {  	[tilespmem:s3], [sflag:$0x4] =	stream.linear.gather [hbm4b:s22+s3], $0xA00, $0x38;
	[tilespmem:$0x1F300] =	vst v63  }
0x28: {  	_ =	swait.ge [sflag:s21], $0xA00  }
0x29: {  	[sflag:s21] =	ssyncset.done $0x0  }
0x2a: {  	[sflag:s21] =	ssyncadd.s32 $0xFFFFF600  }
0x2b: {  	[bflag:$0x0] =	sbarrier.arrive $0xFFFF  }
0x2c: {  	s7 =	simm.s32 $0xA00;
	s26 =	rddreg [dreg:$0x5]  }
0x2d: {  	[tilespmem:s7], [sflag:$0x1] =	stream.linear.gather [hbm4b:s26+s3], $0x80, $0x38;
	[tilespmem:$0x1F300] =	vst v63  }
0x2e: {  	s7 =	simm.s32 $0xB00  }
0x2f: {  	[tilespmem:s7], [sflag:$0x1] =	stream.linear.gather [hbm4b:s13+s3], $0x80, $0x38;
	[tilespmem:$0x1F300] =	vst v63  }
0x30: {  	_ = 	snop  }
0x31: {  	[tilespmem:s24], [sflag:$0x1] =	stream.linear.gather [hbm4b:s14+s3], $0x80, $0x38;
	[tilespmem:$0x1F300] =	vst v63  }
0x32: {  	s10 =	simm.s32 $0xA80  }
0x33: {  	[tilespmem:s10], [sflag:$0x1] =	stream.linear.gather [hbm4b:s15+s3], $0x80, $0x38;
	[tilespmem:$0x1F300] =	vst v63  }
0x34: {  	s12 =	simm.s32 $0xB80  }
0x35: {  	[tilespmem:s12], [sflag:$0x1] =	stream.linear.gather [hbm4b:s16+s3], $0x80, $0x38;
	[tilespmem:$0x1F300] =	vst v63  }
0x36: {  	s22 =	simm.s32 $0xD80  }
0x37: {  	[tilespmem:s22], [sflag:$0x1] =	stream.linear.gather [hbm4b:s17+s3], $0x80, $0x38;
	[tilespmem:$0x1F300] =	vst v63  }
0x38: {  	_ =	swait.ge [sflag:s29], $0x80  }
0x39: {  	[sflag:s29] =	ssyncset.done $0x0  }
0x3a: {  	[sflag:s29] =	ssyncadd.s32 $0xFFFFFF80  }
0x3b: {  	_ =	swait.ge [sflag:s29], $0x80  }
0x3c: {  	[sflag:s29] =	ssyncset.done $0x0  }
0x3d: {  	[sflag:s29] =	ssyncadd.s32 $0xFFFFFF80  }
0x3e: {  	_ =	swait.ge [sflag:s29], $0x80  }
0x3f: {  	[sflag:s29] =	ssyncset.done $0x0  }
0x40: {  	[sflag:s29] =	ssyncadd.s32 $0xFFFFFF80  }
0x41: {  	v0 =	vld [tilespmem:$0xA00];
	_ =	sdelay $0x4  }
0x42: {  	v1 =	vshra.s32 v0, $0x2;
	_ =	sdelay $0x3  }
0x43: {  	v2 =	vld [tilespmem:$0xA10]  }
0x44: {  	v1 =	vld.idx.msk [tilespmem:v1+s3+$0x0], $0xffff;
	_ =	sdelay $0x2  }
0x45: {  	v3 =	vld [tilespmem:$0xD00];
	v0 =	vshll.u32 v0, $0x3  }
0x46: {  	v0 =	vand.u32 $0x18, v0  }
0x47: {  	v47 =	vshra.s32 v2, $0x2;
	v0 =	vshra.s32 v1, v0  }
0x48: {  	v0 =	vshll.u32 v0, $0x4  }
0x49: {  	v0 =	vand.u32 $0xFF0, v0  }
0x4a: {  	v0 =	vadd.s32 v3, v0  }
0x4b: {  	v48 =	vld [tilespmem:$0xA20];
	[tilespmem:$0xD00] =	vst v0  }
0x4c: {  	v0 =	vld.idx.msk [tilespmem:v47+s3+$0x0], $0xffff;
	_ =	sdelay $0x2  }
0x4d: {  	v49 =	vld [tilespmem:$0xD10];
	v2 =	vshll.u32 v2, $0x3  }
0x4e: {  	v2 =	vand.u32 $0x18, v2  }
0x4f: {  	v50 =	vshra.s32 v48, $0x2;
	v0 =	vshra.s32 v0, v2  }
0x50: {  	v0 =	vshll.u32 v0, $0x4  }
0x51: {  	v0 =	vand.u32 $0xFF0, v0  }
0x52: {  	v0 =	vadd.s32 v49, v0  }
0x53: {  	v51 =	vld [tilespmem:$0xA30];
	[tilespmem:$0xD10] =	vst v0  }
0x54: {  	v0 =	vld.idx.msk [tilespmem:v50+s3+$0x0], $0xffff;
	_ =	sdelay $0x2  }
0x55: {  	v52 =	vld [tilespmem:$0xD20];
	v1 =	vshll.u32 v48, $0x3  }
0x56: {  	v1 =	vand.u32 $0x18, v1  }
0x57: {  	v53 =	vshra.s32 v51, $0x2;
	v0 =	vshra.s32 v0, v1  }
0x58: {  	v0 =	vshll.u32 v0, $0x4  }
0x59: {  	v0 =	vand.u32 $0xFF0, v0  }
0x5a: {  	v0 =	vadd.s32 v52, v0  }
0x5b: {  	v54 =	vld [tilespmem:$0xA40];
	[tilespmem:$0xD20] =	vst v0  }
0x5c: {  	v0 =	vld.idx.msk [tilespmem:v53+s3+$0x0], $0xffff;
	_ =	sdelay $0x2  }
0x5d: {  	v55 =	vld [tilespmem:$0xD30];
	v2 =	vshll.u32 v51, $0x3  }
0x5e: {  	v2 =	vand.u32 $0x18, v2  }
0x5f: {  	v56 =	vshra.s32 v54, $0x2;
	v0 =	vshra.s32 v0, v2  }
0x60: {  	v0 =	vshll.u32 v0, $0x4  }
0x61: {  	v0 =	vand.u32 $0xFF0, v0  }
0x62: {  	v0 =	vadd.s32 v55, v0  }
0x63: {  	v57 =	vld [tilespmem:$0xA50];
	[tilespmem:$0xD30] =	vst v0  }
0x64: {  	v0 =	vld.idx.msk [tilespmem:v56+s3+$0x0], $0xffff;
	_ =	sdelay $0x2  }
0x65: {  	v58 =	vld [tilespmem:$0xD40];
	v1 =	vshll.u32 v54, $0x3  }
0x66: {  	v1 =	vand.u32 $0x18, v1  }
0x67: {  	v59 =	vshra.s32 v57, $0x2;
	v0 =	vshra.s32 v0, v1  }
0x68: {  	v0 =	vshll.u32 v0, $0x4  }
0x69: {  	v0 =	vand.u32 $0xFF0, v0  }
0x6a: {  	v0 =	vadd.s32 v58, v0  }
0x6b: {  	v60 =	vld [tilespmem:$0xA60];
	[tilespmem:$0xD40] =	vst v0  }
0x6c: {  	v0 =	vld.idx.msk [tilespmem:v59+s3+$0x0], $0xffff;
	_ =	sdelay $0x2  }
0x6d: {  	v61 =	vld [tilespmem:$0xD50];
	v2 =	vshll.u32 v57, $0x3  }
0x6e: {  	v2 =	vand.u32 $0x18, v2  }
0x6f: {  	v62 =	vshra.s32 v60, $0x2;
	v0 =	vshra.s32 v0, v2  }
0x70: {  	v0 =	vshll.u32 v0, $0x4  }
0x71: {  	v0 =	vand.u32 $0xFF0, v0  }
0x72: {  	v0 =	vadd.s32 v61, v0  }
0x73: {  	[tilespmem:$0xD50] =	vst v0  }
0x74: {  	v0 =	vld.idx.msk [tilespmem:v62+s3+$0x0], $0xffff;
	_ =	sdelay $0x2  }
0x75: {  	v63 =	vld [tilespmem:$0xD60];
	v1 =	vshll.u32 v60, $0x3  }
0x76: {  	v1 =	vand.u32 $0x18, v1  }
0x77: {  	v0 =	vshra.s32 v0, v1  }
0x78: {  	v0 =	vshll.u32 v0, $0x4  }
0x79: {  	v0 =	vand.u32 $0xFF0, v0  }
0x7a: {  	v0 =	vadd.s32 v63, v0  }
0x7b: {  	s26 =	simm.s32 $0xF00;
	[tilespmem:$0xD60] =	vst v0  }
0x7c: {  	[tilespmem:s26], [sflag:$0x2] =	stream.indirect.gather [hbm4b:s8+s30], $0x80, s24, s30, $0xb8;
	[tilespmem:$0x1F300] =	vst v63  }
0x7d: {  	s28 =	simm.s32 $0x100;
	s31 =	simm.s32 $0x2;
	s26 =	simm.s32 $0x400  }
.LBB2_2:
0x7e: {  	p0 =	seq.s32 s31, $0x2  }
0x7f: {  	s2 =	sadd.s32 @!p0 $0xFFFFFFFD, s31  }
0x80: {  	s7 =	smul.u32 @!p0 $0xAB, s2;
	_ =	sdelay $0x1  }
0x81: {  	s7 =	sshrl.u32 @!p0 s7, $0x9  }
0x82: {  	s7 =	sand.u32 @!p0 $0x7F, s7  }
0x83: {  	s7 =	smul.u32 @!p0 $0x3, s7;
	_ =	sdelay $0x1  }
0x84: {  	s2 =	ssub.s32 @!p0 s2, s7  }
0x85: {  	s7 =	simm.s32 @!p0 $0x2;
	s2 =	sand.u32 @!p0 $0xFF, s2  }
0x86: {  	s22 =	sadd.s32 @!p0 $0xFFFFFA00, s26;
	_ =	swait.ge @!p0 [sflag:s7], $0x3800;
	s2 =	smul.u32 @!p0 $0xE000, s2  }
0x87: {  	p1 =	seq.s32 @!p0 s31, $0x3;
	s22 =	sand.u32 @!p0 $0x600, s22;
	[sflag:s7] =	ssyncset.done @!p0 $0x0  }
0x88: {  	[sflag:s7] =	ssyncadd.s32 @!p0 $0xFFFFC800;
	s7 =	sshrl.u32 @!p0 s22, $0x2;
	s2 =	sshrl.u32 @!p0 s2, $0x2  }
0x89: {  	s22 =	simm.s32 @!p0 $0x70;
	s7 =	sadd.s32 @!p0 $0xB00, s7;
	s2 =	sadd.s32 @!p0 $0xF00, s2  }
0x8a: {  	[spmem:s1] =	stream.indirect.scatter.add.f32 @!p0 [tilespmem:s2], [sflag:$0x3], $0x80, s7, s22, $0xb8;
	[tilespmem:$0x1F300] =	vst v63  }
0x8b: {  	p0 =	por p0, p1  }
0x8c: {  	p1 =	seq.s32 @!p0 s31, $0xB4  }
0x8d: {  	p1 =	por p0, !p1  }
.Ltmp2:
0x8e: {  	_ = 	snop;
	(pc) =	sbr.rel @!p1 .LBB2_4-.Ltmp2, $4  }
0x8f: {  	s2 =	simm.s32 @!p0 $0x3  }
0x90: {  	_ =	swait.ge @!p0 [sflag:s2], $0x3800  }
0x91: {  	[sflag:s2] =	ssyncset.done @!p0 $0x0  }
0x92: {  	[sflag:s2] =	ssyncadd.s32 @!p0 $0xFFFFC800  }
0x93: {  	_ =	swait.ge [sflag:s29], $0x80  }
0x94: {  	s2 =	sadd.s32 $0xFFFFFFFE, s31;
	[sflag:s29] =	ssyncset.done $0x0  }
0x95: {  	p0 =	sgt.u32 s2, $0xB0;
	[sflag:s29] =	ssyncadd.s32 $0xFFFFFF80  }
0x96: {  	s2 =	sand.u32 @!p0 $0xFC00, s28;
	s7 =	sadd.s32 @!p0 $0xFFFFFC00, s26;
	_ =	swait.ge [sflag:s29], $0x80  }
0x97: {  	s22 =	sand.u32 @!p0 $0x380, s28;
	s10 =	simm.s32 @!p0 $0x0;
	[sflag:s29] =	ssyncset.done $0x0  }
0x98: {  	s12 =	smul.u32 @!p0 $0xAB, s31;
	s2 =	sadd.s32 @!p0 s9, s2;
	[sflag:s29] =	ssyncadd.s32 $0xFFFFFF80  }
0x99: {  	s7 =	sand.u32 @!p0 $0x200, s7;
	s2 =	sor.u32 @!p0 s22, s2;
	_ =	swait.ge [sflag:s29], $0x80  }
0x9a: {  	s7 =	sshrl.u32 @!p0 s7, $0x2;
	s2 =	sshrl.u32 @!p0 s2, $0x3;
	[sflag:s29] =	ssyncset.done $0x0  }
0x9b: {  	s7 =	sor.u32 @!p0 $0xA00, s7;
	s22 =	sadd.s32 @!p0 s4, s2;
	[sflag:s29] =	ssyncadd.s32 $0xFFFFFF80  }
0x9c: {  	[tilespmem:s7], [sflag:$0x1] =	stream.linear.gather @!p0 [hbm4b:s22+s10], $0x80, $0x38;
	[tilespmem:$0x1F300] =	vst v63  }
0x9d: {  	s12 =	sshrl.u32 @!p0 s12, $0x9;
	s7 =	sand.u32 @!p0 $0x600, s26  }
0x9e: {  	s12 =	sand.u32 @!p0 $0x7F, s12;
	s7 =	sshrl.u32 @!p0 s7, $0x2  }
0x9f: {  	s12 =	smul.u32 @!p0 $0x3, s12;
	s22 =	sadd.s32 @!p0 s5, s2;
	s7 =	sadd.s32 @!p0 $0xB00, s7  }
0xa0: {  	[tilespmem:s7], [sflag:$0x1] =	stream.linear.gather @!p0 [hbm4b:s22+s10], $0x80, $0x38;
	[tilespmem:$0x1F300] =	vst v63  }
0xa1: {  	s7 =	ssub.s32 @!p0 s31, s12  }
0xa2: {  	s7 =	sand.u32 @!p0 $0xFF, s7  }
0xa3: {  	s7 =	sshll.u32 @!p0 s7, $0x7  }
0xa4: {  	s2 =	sadd.s32 @!p0 s6, s2;
	s7 =	sadd.s32 @!p0 $0xD00, s7  }
0xa5: {  	[tilespmem:s7], [sflag:$0x1] =	stream.linear.gather @!p0 [hbm4b:s2+s10], $0x80, $0x38;
	[tilespmem:$0x1F300] =	vst v63  }
0xa6: {  	s10 =	sadd.s32 $0xFFFFFF80, s28  }
0xa7: {  	s22 =	sand.u32 $0x80, s10  }
0xa8: {  	v0 =	vld [tilespmem:s22+$0xA00];
	_ =	sdelay $0x2  }
0xa9: {  	s12 =	sadd.s32 $0xFFFFFFFF, s31  }
0xaa: {  	s10 =	smul.u32 $0xAB, s12  }
0xab: {  	v1 =	vshra.s32 v0, $0x2  }
0xac: {  	s7 =	sshrl.u32 s10, $0x9  }
0xad: {  	s7 =	sand.u32 $0x7F, s7  }
0xae: {  	s7 =	smul.u32 $0x3, s7;
	_ =	sdelay $0x1  }
0xaf: {  	s2 =	ssub.s32 s12, s7;
	v1 =	vld.idx.msk [tilespmem:v1+s3+$0x0], $0xffff  }
0xb0: {  	s7 =	sand.u32 $0xFF, s2  }
0xb1: {  	s2 =	sshll.u32 s7, $0x7  }
0xb2: {  	v0 =	vshll.u32 v0, $0x3;
	v2 =	vld [tilespmem:s2+$0xD00]  }
0xb3: {  	v0 =	vand.u32 $0x18, v0  }
0xb4: {  	v0 =	vshra.s32 v1, v0  }
0xb5: {  	v0 =	vshll.u32 v0, $0x4  }
0xb6: {  	v0 =	vand.u32 $0xFF0, v0  }
0xb7: {  	v0 =	vadd.s32 v2, v0  }
0xb8: {  	[tilespmem:s2+$0xD00] =	vst v0  }
0xb9: {  	v0 =	vld [tilespmem:s22+$0xA10];
	_ =	sdelay $0x4  }
0xba: {  	v52 =	vshra.s32 v0, $0x2;
	_ =	sdelay $0x4  }
0xbb: {  	v1 =	vld.idx.msk [tilespmem:v52+s3+$0x0], $0xffff;
	_ =	sdelay $0x2  }
0xbc: {  	v53 =	vld [tilespmem:s2+$0xD10];
	v0 =	vshll.u32 v0, $0x3  }
0xbd: {  	v0 =	vand.u32 $0x18, v0  }
0xbe: {  	v0 =	vshra.s32 v1, v0  }
0xbf: {  	v0 =	vshll.u32 v0, $0x4  }
0xc0: {  	v0 =	vand.u32 $0xFF0, v0  }
0xc1: {  	v0 =	vadd.s32 v53, v0  }
0xc2: {  	[tilespmem:s2+$0xD10] =	vst v0  }
0xc3: {  	v0 =	vld [tilespmem:s22+$0xA20];
	_ =	sdelay $0x4  }
0xc4: {  	v54 =	vshra.s32 v0, $0x2;
	_ =	sdelay $0x4  }
0xc5: {  	v1 =	vld.idx.msk [tilespmem:v54+s3+$0x0], $0xffff;
	_ =	sdelay $0x2  }
0xc6: {  	v55 =	vld [tilespmem:s2+$0xD20];
	v0 =	vshll.u32 v0, $0x3  }
0xc7: {  	v0 =	vand.u32 $0x18, v0  }
0xc8: {  	v0 =	vshra.s32 v1, v0  }
0xc9: {  	v0 =	vshll.u32 v0, $0x4  }
0xca: {  	v0 =	vand.u32 $0xFF0, v0  }
0xcb: {  	v0 =	vadd.s32 v55, v0  }
0xcc: {  	[tilespmem:s2+$0xD20] =	vst v0  }
0xcd: {  	v0 =	vld [tilespmem:s22+$0xA30];
	_ =	sdelay $0x4  }
0xce: {  	v56 =	vshra.s32 v0, $0x2;
	_ =	sdelay $0x4  }
0xcf: {  	v1 =	vld.idx.msk [tilespmem:v56+s3+$0x0], $0xffff;
	_ =	sdelay $0x2  }
0xd0: {  	v57 =	vld [tilespmem:s2+$0xD30];
	v0 =	vshll.u32 v0, $0x3  }
0xd1: {  	v0 =	vand.u32 $0x18, v0  }
0xd2: {  	v0 =	vshra.s32 v1, v0  }
0xd3: {  	v0 =	vshll.u32 v0, $0x4  }
0xd4: {  	v0 =	vand.u32 $0xFF0, v0  }
0xd5: {  	v0 =	vadd.s32 v57, v0  }
0xd6: {  	[tilespmem:s2+$0xD30] =	vst v0  }
0xd7: {  	v0 =	vld [tilespmem:s22+$0xA40];
	_ =	sdelay $0x4  }
0xd8: {  	v58 =	vshra.s32 v0, $0x2;
	_ =	sdelay $0x4  }
0xd9: {  	v1 =	vld.idx.msk [tilespmem:v58+s3+$0x0], $0xffff;
	_ =	sdelay $0x2  }
0xda: {  	v59 =	vld [tilespmem:s2+$0xD40];
	v0 =	vshll.u32 v0, $0x3  }
0xdb: {  	v0 =	vand.u32 $0x18, v0  }
0xdc: {  	v0 =	vshra.s32 v1, v0  }
0xdd: {  	v0 =	vshll.u32 v0, $0x4  }
0xde: {  	v0 =	vand.u32 $0xFF0, v0  }
0xdf: {  	v0 =	vadd.s32 v59, v0  }
0xe0: {  	[tilespmem:s2+$0xD40] =	vst v0  }
0xe1: {  	v0 =	vld [tilespmem:s22+$0xA50];
	_ =	sdelay $0x4  }
0xe2: {  	v60 =	vshra.s32 v0, $0x2;
	_ =	sdelay $0x4  }
0xe3: {  	v1 =	vld.idx.msk [tilespmem:v60+s3+$0x0], $0xffff;
	_ =	sdelay $0x2  }
0xe4: {  	v61 =	vld [tilespmem:s2+$0xD50];
	v0 =	vshll.u32 v0, $0x3  }
0xe5: {  	v0 =	vand.u32 $0x18, v0  }
0xe6: {  	v0 =	vshra.s32 v1, v0  }
0xe7: {  	v0 =	vshll.u32 v0, $0x4  }
0xe8: {  	v0 =	vand.u32 $0xFF0, v0  }
0xe9: {  	v0 =	vadd.s32 v61, v0  }
0xea: {  	[tilespmem:s2+$0xD50] =	vst v0  }
0xeb: {  	v0 =	vld [tilespmem:s22+$0xA60];
	_ =	sdelay $0x4  }
0xec: {  	v62 =	vshra.s32 v0, $0x2;
	_ =	sdelay $0x4  }
0xed: {  	v1 =	vld.idx.msk [tilespmem:v62+s3+$0x0], $0xffff;
	_ =	sdelay $0x2  }
0xee: {  	v63 =	vld [tilespmem:s2+$0xD60];
	v0 =	vshll.u32 v0, $0x3  }
0xef: {  	v0 =	vand.u32 $0x18, v0  }
0xf0: {  	s7 =	smul.u32 $0xE000, s7;
	v0 =	vshra.s32 v1, v0  }
.Ltmp3:
0xf1: {  	v0 =	vshll.u32 v0, $0x4;
	(pc) =	sbr.rel .LBB2_2-.Ltmp3, $4  }
0xf2: {  	v0 =	vand.u32 $0xFF0, v0  }
0xf3: {  	s26 =	sadd.s32 $0x200, s26;
	s31 =	sadd.s32 $0x1, s31;
	s7 =	sshrl.u32 s7, $0x2;
	v0 =	vadd.s32 v63, v0  }
0xf4: {  	s28 =	sadd.s32 $0x80, s28;
	s12 =	sadd.s32 $0xD00, s2;
	s22 =	sadd.s32 $0xF00, s7;
	[tilespmem:s2+$0xD60] =	vst v0  }
0xf5: {  	[tilespmem:s22], [sflag:$0x2] =	stream.indirect.gather [hbm4b:s8+s30], $0x80, s12, s30, $0xb8;
	[tilespmem:$0x1F300] =	vst v63  }
.LBB2_5:
0xf6: {  	_ =	sfence.sel $0x180000  }
0xf7: {  	[bflag:$0x0] =	sbarrier.arrive $0xFFFF  }
0xf8: {  	_ =	strace $0x90000047  }
0xf9: {  	s0 =	stileid.u32;
	[bflag:$0x2] =	sbarrier.arrive $0xFFFF  }
0xfa: {  	p0 =	sne.s32 s0, $0x0;
	s0 =	rddreg [dreg:$0x2]  }
0xfb: {  	s0 =	sadd.s32 @!p0 $0x100000, s0  }
0xfc: {  	[sflag:s0] =	ssyncadd.tile.s32 @!p0 $0x1;
	_ =	shalt  }
.Lfunc_end2:
_tile_overlayer_lowered:
.L_overlay_start_2:
0xfd: {  	(tag) =	ssettag $0x2  }
0xfe: {  	s0 =	rddreg [dreg:$0x0];
	s2 =	stileid.u32  }
0xff: {  	s1 =	rddreg [dreg:$0x1];
	p0 =	sne.s32 s2, $0x0  }
0x100: {  	s3 =	rddreg [dreg:$0x2];
	[bflag:$0x3] =	sbarrier.arrive $0xFFFF;
	s2 =	simm.s32 @!p0 $0x1C04  }
0x101: {  	[timem:s3], [sflag:s2] =	dma.local @!p0 [hbm:s0], s1  }
0x102: {  	s0 =	simm.s32 @!p0 $0x4  }
0x103: {  	_ =	swait.ge @!p0 [sflag:s0], s1  }
0x104: {  	s1 =	ssub.s32 @!p0 $0x0, s1;
	[sflag:s0] =	ssyncset.done @!p0 $0x0  }
0x105: {  	[sflag:s0] =	ssyncadd.s32 @!p0 s1  }
0x106: {  	[bflag:$0x3] =	sbarrier.arrive $0xFFFF  }
0x107: {  	_ =	shalt  }

</sc_bundles>
